<compile_context>
chip_gen: v7x
topology: tpu7x:2x2x1
jax: 0.10.2.dev20260603
libtpu: 0.0.44.dev20260713+nightly
codegen_flags: <defaults>
</compile_context>

<pallas_src>
import functools

import jax
import jax.numpy as jnp
from jax import lax
from jax.experimental import pallas as pl
from jax.experimental.pallas import tpu as pltpu
from jax.experimental.pallas import tpu_sc as plsc

NC, NS = 2, 16
NW = NC * NS
L = 16
C = 4096


@functools.lru_cache(maxsize=None)
def _build(M, D, B):
    assert D % NW == 0 and M % L == 0
    cols_per_w = D // NW
    nchunk = B // C
    assert B % C == 0 and C % L == 0 and nchunk >= 2
    mesh = plsc.VectorSubcoreMesh(
        core_axis_name="c", subcore_axis_name="s", num_cores=NC, num_subcores=NS
    )

    @functools.partial(
        pl.kernel,
        out_type=jax.ShapeDtypeStruct((D, M), jnp.float32),
        mesh=mesh,
        compiler_params=pltpu.CompilerParams(needs_layout_passes=False),
        scratch_types=[
            pltpu.VMEM((M,), jnp.float32),
            pltpu.VMEM((B,), jnp.int32),
            pltpu.VMEM((2, C), jnp.float32),
            pltpu.SemaphoreType.DMA,
            pltpu.SemaphoreType.DMA,
            pltpu.SemaphoreType.DMA,
            pltpu.SemaphoreType.DMA,
            pltpu.SemaphoreType.DMA,
        ],
    )
    def scatter_cols(
        inp_t, idx_t, src_t, out_t, acc_v, idx_v, src2, sem_c, sem_o, sem_i,
        sem_a, sem_b,
    ):
        wid = lax.axis_index("s") * NC + lax.axis_index("c")
        src_sems = (sem_a, sem_b)

        def start_src(col, c):
            return pltpu.async_copy(
                src_t.at[col, pl.ds(c * C, C)], src2.at[c % 2], src_sems[c % 2]
            )

        col0 = 0 * NW + wid
        col_cp = pltpu.async_copy(inp_t.at[col0], acc_v, sem_c)
        idx_cp = pltpu.async_copy(idx_t.at[col0], idx_v, sem_i)
        src_cp = {0: start_src(col0, 0)}

        for k in range(cols_per_w):
            col = k * NW + wid
            col_cp.wait()
            idx_cp.wait()
            for c in range(nchunk):
                if c + 1 < nchunk:
                    src_cp[c + 1] = start_src(col, c + 1)
                elif k + 1 < cols_per_w:
                    nxt_src = start_src(col + NW, 0)
                src_cp[c].wait()

                def scat(i, carry, c=c):
                    idx16 = idx_v[pl.ds(c * C + i * L, L)]
                    val16 = src2[c % 2, pl.ds(i * L, L)]
                    plsc.addupdate_scatter(acc_v, [idx16], val16)
                    return carry

                lax.fori_loop(0, C // L, scat, 0, unroll=8)
            st_cp = pltpu.async_copy(acc_v, out_t.at[col], sem_o)
            if k + 1 < cols_per_w:
                idx_cp = pltpu.async_copy(idx_t.at[col + NW], idx_v, sem_i)
                src_cp = {0: nxt_src}
                st_cp.wait()
                col_cp = pltpu.async_copy(inp_t.at[col + NW], acc_v, sem_c)
            else:
                st_cp.wait()

    return scatter_cols


def kernel(input, index, src):
    M, D = input.shape
    B = src.shape[0]
    inp_t = input.T
    idx_t = index.astype(jnp.int32).T
    src_t = src.T
    out_t = _build(M, D, B)(inp_t, idx_t, src_t)
    return out_t.T

# --- scband reference (transcript-rebuilt; emitter-appended) ---
"""Pipeline reference for scband-scatter-reduce-sum-57475252355812 (READ-ONLY COPY).

The authoritative reference and input builder live on the scoring server;
editing this copy changes nothing except your own understanding.
"""

import jax, jax.numpy as jnp
import numpy as np


def setup_inputs(seed: int = 0) -> dict:
    key = jax.random.key(seed)
    k1, k2, k3 = jax.random.split(key, 3)
    M, d = 100000, 64
    B = 16384
    inp = jax.random.normal(k1, (M, d), dtype=jnp.float32)
    src = jax.random.normal(k2, (B, d), dtype=jnp.float32)
    index = jax.random.randint(k3, (B, d), 0, M, dtype=jnp.int64)
    return {"input": inp, "index": index, "src": src}


def reference(input, index, src):
    # torch.scatter_reduce(input, 0, index, src, reduce='sum') with include_self=True:
    # output[index[i, j], j] += src[i, j], starting from input.
    cols = jnp.broadcast_to(jnp.arange(src.shape[1])[None, :], src.shape)
    output = input.at[index, cols].add(src)
    return output

if __name__ == "__main__":
    import jax
    _d = setup_inputs()
    print(jax.jit(kernel)(*tuple(_d.values())))

</pallas_src>

<mosaic_0001>
#map = affine_map<(d0, d1) -> (0, 0)>
module attributes {stable_mosaic.version = 14 : i64} {
  func.func @scatter_cols(%arg0: i32, %arg1: i32, %arg2: memref<64x100000xf32, #tpu.memory_space<hbm>>, %arg3: memref<64x16384xi32, #tpu.memory_space<hbm>>, %arg4: memref<64x16384xf32, #tpu.memory_space<hbm>>, %arg5: memref<64x100000xf32, #tpu.memory_space<hbm>>, %arg6: memref<100000xf32, #tpu.memory_space<vmem>>, %arg7: memref<16384xi32, #tpu.memory_space<vmem>>, %arg8: memref<2x4096xf32, #tpu.memory_space<vmem>>, %arg9: memref<!tpu.dma_semaphore, #tpu.memory_space<semaphore_mem>>, %arg10: memref<!tpu.dma_semaphore, #tpu.memory_space<semaphore_mem>>, %arg11: memref<!tpu.dma_semaphore, #tpu.memory_space<semaphore_mem>>, %arg12: memref<!tpu.dma_semaphore, #tpu.memory_space<semaphore_mem>>, %arg13: memref<!tpu.dma_semaphore, #tpu.memory_space<semaphore_mem>>) attributes {dimension_semantics = [#tpu.dimension_semantics<core_parallel>, #tpu.dimension_semantics<subcore_parallel>], iteration_bounds = array<i64: 2, 16>, scalar_prefetch = 0 : i64, scratch_operands = 8 : i64, tpu.core_type = #tpu.core_type<sc_vector_subcore>, window_params = [{transform_indices = #map}, {transform_indices = #map}, {transform_indices = #map}, {transform_indices = #map}]} {
    %mul3A = arith.constant 2 : i32
    %mul3A_0 = arith.muli %arg1, %mul3A : i32
    %add3A = arith.addi %mul3A_0, %arg0 : i32
    %add3A_1 = arith.constant 0 : i32
    %add3A_2 = arith.addi %add3A_1, %add3A : i32
    %dma_start3A = arith.constant 0 : i32
    %dma_start3A_3 = tpu.memref_slice %arg2[%add3A_2, %dma_start3A] : memref<64x100000xf32, #tpu.memory_space<hbm>> -> memref<1x100000xf32, #tpu.memory_space<hbm>>
    %dma_start3A_4 = tpu.memref_squeeze %dma_start3A_3 : memref<1x100000xf32, #tpu.memory_space<hbm>> -> memref<100000xf32, #tpu.memory_space<hbm>>
    %dma_start3A_5 = arith.constant 0 : i32
    %dma_start3A_6 = tpu.memref_slice %arg2[%add3A_2, %dma_start3A_5] : memref<64x100000xf32, #tpu.memory_space<hbm>> -> memref<1x100000xf32, #tpu.memory_space<hbm>>
    %dma_start3A_7 = tpu.memref_squeeze %dma_start3A_6 : memref<1x100000xf32, #tpu.memory_space<hbm>> -> memref<100000xf32, #tpu.memory_space<hbm>>
    tpu.enqueue_dma source(%dma_start3A_7 : memref<100000xf32, #tpu.memory_space<hbm>>) target(%arg6 : memref<100000xf32, #tpu.memory_space<vmem>>) target_semaphore(%arg9 : memref<!tpu.dma_semaphore, #tpu.memory_space<semaphore_mem>>)
    %dma_start3A_8 = arith.constant 0 : i32
    %dma_start3A_9 = tpu.memref_slice %arg3[%add3A_2, %dma_start3A_8] : memref<64x16384xi32, #tpu.memory_space<hbm>> -> memref<1x16384xi32, #tpu.memory_space<hbm>>
    %dma_start3A_10 = tpu.memref_squeeze %dma_start3A_9 : memref<1x16384xi32, #tpu.memory_space<hbm>> -> memref<16384xi32, #tpu.memory_space<hbm>>
    %dma_start3A_11 = arith.constant 0 : i32
    %dma_start3A_12 = tpu.memref_slice %arg3[%add3A_2, %dma_start3A_11] : memref<64x16384xi32, #tpu.memory_space<hbm>> -> memref<1x16384xi32, #tpu.memory_space<hbm>>
    %dma_start3A_13 = tpu.memref_squeeze %dma_start3A_12 : memref<1x16384xi32, #tpu.memory_space<hbm>> -> memref<16384xi32, #tpu.memory_space<hbm>>
    tpu.enqueue_dma source(%dma_start3A_13 : memref<16384xi32, #tpu.memory_space<hbm>>) target(%arg7 : memref<16384xi32, #tpu.memory_space<vmem>>) target_semaphore(%arg11 : memref<!tpu.dma_semaphore, #tpu.memory_space<semaphore_mem>>)
    %dma_start3A_14 = arith.constant 0 : i32
    %dma_start3A_15 = arith.constant 0 : i32
    %dma_start3A_16 = tpu.memref_slice %arg8[%dma_start3A_14, %dma_start3A_15] : memref<2x4096xf32, #tpu.memory_space<vmem>> -> memref<1x4096xf32, #tpu.memory_space<vmem>>
    %dma_start3A_17 = tpu.memref_squeeze %dma_start3A_16 : memref<1x4096xf32, #tpu.memory_space<vmem>> -> memref<4096xf32, #tpu.memory_space<vmem>>
    %dma_start3A_18 = arith.constant 0 : i32
    %dma_start3A_19 = tpu.memref_slice %arg4[%add3A_2, %dma_start3A_18] : memref<64x16384xf32, #tpu.memory_space<hbm>> -> memref<1x4096xf32, #tpu.memory_space<hbm>>
    %dma_start3A_20 = tpu.memref_squeeze %dma_start3A_19 : memref<1x4096xf32, #tpu.memory_space<hbm>> -> memref<4096xf32, #tpu.memory_space<hbm>>
    %dma_start3A_21 = arith.constant 0 : i32
    %dma_start3A_22 = tpu.memref_slice %arg8[%dma_start3A_14, %dma_start3A_21] : memref<2x4096xf32, #tpu.memory_space<vmem>> -> memref<1x4096xf32, #tpu.memory_space<vmem>>
    %dma_start3A_23 = tpu.memref_squeeze %dma_start3A_22 : memref<1x4096xf32, #tpu.memory_space<vmem>> -> memref<4096xf32, #tpu.memory_space<vmem>>
    %dma_start3A_24 = arith.constant 0 : i32
    %dma_start3A_25 = tpu.memref_slice %arg4[%add3A_2, %dma_start3A_24] : memref<64x16384xf32, #tpu.memory_space<hbm>> -> memref<1x4096xf32, #tpu.memory_space<hbm>>
    %dma_start3A_26 = tpu.memref_squeeze %dma_start3A_25 : memref<1x4096xf32, #tpu.memory_space<hbm>> -> memref<4096xf32, #tpu.memory_space<hbm>>
    tpu.enqueue_dma source(%dma_start3A_26 : memref<4096xf32, #tpu.memory_space<hbm>>) target(%dma_start3A_23 : memref<4096xf32, #tpu.memory_space<vmem>>) target_semaphore(%arg12 : memref<!tpu.dma_semaphore, #tpu.memory_space<semaphore_mem>>)
    %add3A_27 = arith.constant 0 : i32
    %add3A_28 = arith.addi %add3A_27, %add3A : i32
    %dma_wait3A = arith.constant 0 : i32
    %dma_wait3A_29 = tpu.memref_slice %arg2[%add3A_2, %dma_wait3A] : memref<64x100000xf32, #tpu.memory_space<hbm>> -> memref<1x100000xf32, #tpu.memory_space<hbm>>
    %dma_wait3A_30 = tpu.memref_squeeze %dma_wait3A_29 : memref<1x100000xf32, #tpu.memory_space<hbm>> -> memref<100000xf32, #tpu.memory_space<hbm>>
    %dma_wait3A_31 = arith.constant 0 : i32
    %dma_wait3A_32 = tpu.memref_slice %arg2[%add3A_2, %dma_wait3A_31] : memref<64x100000xf32, #tpu.memory_space<hbm>> -> memref<1x100000xf32, #tpu.memory_space<hbm>>
    %dma_wait3A_33 = tpu.memref_squeeze %dma_wait3A_32 : memref<1x100000xf32, #tpu.memory_space<hbm>> -> memref<100000xf32, #tpu.memory_space<hbm>>
    tpu.wait_dma2 semaphore(%arg9 : memref<!tpu.dma_semaphore, #tpu.memory_space<semaphore_mem>>) src(%dma_wait3A_33 : memref<100000xf32, #tpu.memory_space<hbm>>) dst(%arg6 : memref<100000xf32, #tpu.memory_space<vmem>>)
    %dma_wait3A_34 = arith.constant 0 : i32
    %dma_wait3A_35 = tpu.memref_slice %arg3[%add3A_2, %dma_wait3A_34] : memref<64x16384xi32, #tpu.memory_space<hbm>> -> memref<1x16384xi32, #tpu.memory_space<hbm>>
    %dma_wait3A_36 = tpu.memref_squeeze %dma_wait3A_35 : memref<1x16384xi32, #tpu.memory_space<hbm>> -> memref<16384xi32, #tpu.memory_space<hbm>>
    %dma_wait3A_37 = arith.constant 0 : i32
    %dma_wait3A_38 = tpu.memref_slice %arg3[%add3A_2, %dma_wait3A_37] : memref<64x16384xi32, #tpu.memory_space<hbm>> -> memref<1x16384xi32, #tpu.memory_space<hbm>>
    %dma_wait3A_39 = tpu.memref_squeeze %dma_wait3A_38 : memref<1x16384xi32, #tpu.memory_space<hbm>> -> memref<16384xi32, #tpu.memory_space<hbm>>
    tpu.wait_dma2 semaphore(%arg11 : memref<!tpu.dma_semaphore, #tpu.memory_space<semaphore_mem>>) src(%dma_wait3A_39 : memref<16384xi32, #tpu.memory_space<hbm>>) dst(%arg7 : memref<16384xi32, #tpu.memory_space<vmem>>)
    %dma_start3A_40 = arith.constant 1 : i32
    %dma_start3A_41 = arith.constant 0 : i32
    %dma_start3A_42 = tpu.memref_slice %arg8[%dma_start3A_40, %dma_start3A_41] : memref<2x4096xf32, #tpu.memory_space<vmem>> -> memref<1x4096xf32, #tpu.memory_space<vmem>>
    %dma_start3A_43 = tpu.memref_squeeze %dma_start3A_42 : memref<1x4096xf32, #tpu.memory_space<vmem>> -> memref<4096xf32, #tpu.memory_space<vmem>>
    %dma_start3A_44 = arith.constant 4096 : i32
    %dma_start3A_45 = tpu.memref_slice %arg4[%add3A_28, %dma_start3A_44] : memref<64x16384xf32, #tpu.memory_space<hbm>> -> memref<1x4096xf32, #tpu.memory_space<hbm>>
    %dma_start3A_46 = tpu.memref_squeeze %dma_start3A_45 : memref<1x4096xf32, #tpu.memory_space<hbm>> -> memref<4096xf32, #tpu.memory_space<hbm>>
    %dma_start3A_47 = arith.constant 0 : i32
    %dma_start3A_48 = tpu.memref_slice %arg8[%dma_start3A_40, %dma_start3A_47] : memref<2x4096xf32, #tpu.memory_space<vmem>> -> memref<1x4096xf32, #tpu.memory_space<vmem>>
    %dma_start3A_49 = tpu.memref_squeeze %dma_start3A_48 : memref<1x4096xf32, #tpu.memory_space<vmem>> -> memref<4096xf32, #tpu.memory_space<vmem>>
    %dma_start3A_50 = arith.constant 4096 : i32
    %dma_start3A_51 = tpu.memref_slice %arg4[%add3A_28, %dma_start3A_50] : memref<64x16384xf32, #tpu.memory_space<hbm>> -> memref<1x4096xf32, #tpu.memory_space<hbm>>
    %dma_start3A_52 = tpu.memref_squeeze %dma_start3A_51 : memref<1x4096xf32, #tpu.memory_space<hbm>> -> memref<4096xf32, #tpu.memory_space<hbm>>
    tpu.enqueue_dma source(%dma_start3A_52 : memref<4096xf32, #tpu.memory_space<hbm>>) target(%dma_start3A_49 : memref<4096xf32, #tpu.memory_space<vmem>>) target_semaphore(%arg13 : memref<!tpu.dma_semaphore, #tpu.memory_space<semaphore_mem>>)
    %dma_wait3A_53 = arith.constant 0 : i32
    %dma_wait3A_54 = arith.constant 0 : i32
    %dma_wait3A_55 = tpu.memref_slice %arg8[%dma_wait3A_53, %dma_wait3A_54] : memref<2x4096xf32, #tpu.memory_space<vmem>> -> memref<1x4096xf32, #tpu.memory_space<vmem>>
    %dma_wait3A_56 = tpu.memref_squeeze %dma_wait3A_55 : memref<1x4096xf32, #tpu.memory_space<vmem>> -> memref<4096xf32, #tpu.memory_space<vmem>>
    %dma_wait3A_57 = arith.constant 0 : i32
    %dma_wait3A_58 = tpu.memref_slice %arg4[%add3A_2, %dma_wait3A_57] : memref<64x16384xf32, #tpu.memory_space<hbm>> -> memref<1x4096xf32, #tpu.memory_space<hbm>>
    %dma_wait3A_59 = tpu.memref_squeeze %dma_wait3A_58 : memref<1x4096xf32, #tpu.memory_space<hbm>> -> memref<4096xf32, #tpu.memory_space<hbm>>
    %dma_wait3A_60 = arith.constant 0 : i32
    %dma_wait3A_61 = tpu.memref_slice %arg8[%dma_wait3A_53, %dma_wait3A_60] : memref<2x4096xf32, #tpu.memory_space<vmem>> -> memref<1x4096xf32, #tpu.memory_space<vmem>>
    %dma_wait3A_62 = tpu.memref_squeeze %dma_wait3A_61 : memref<1x4096xf32, #tpu.memory_space<vmem>> -> memref<4096xf32, #tpu.memory_space<vmem>>
    %dma_wait3A_63 = arith.constant 0 : i32
    %dma_wait3A_64 = tpu.memref_slice %arg4[%add3A_2, %dma_wait3A_63] : memref<64x16384xf32, #tpu.memory_space<hbm>> -> memref<1x4096xf32, #tpu.memory_space<hbm>>
    %dma_wait3A_65 = tpu.memref_squeeze %dma_wait3A_64 : memref<1x4096xf32, #tpu.memory_space<hbm>> -> memref<4096xf32, #tpu.memory_space<hbm>>
    tpu.wait_dma2 semaphore(%arg12 : memref<!tpu.dma_semaphore, #tpu.memory_space<semaphore_mem>>) src(%dma_wait3A_65 : memref<4096xf32, #tpu.memory_space<hbm>>) dst(%dma_wait3A_62 : memref<4096xf32, #tpu.memory_space<vmem>>)
    %scan3A = arith.constant 0 : i32
    %scan3A_66 = arith.constant 0 : i32
    %scan3A_67 = arith.constant 256 : i32
    %scan3A_68 = arith.addi %scan3A_66, %scan3A_67 : i32
    %scan3A_69 = arith.constant 8 : i32
    scf.for %scan3A_338 = %scan3A_66 to %scan3A_68 step %scan3A_69  : i32 {
      %mul3A_339 = arith.constant 16 : i32
      %mul3A_340 = arith.muli %scan3A_338, %mul3A_339 : i32
      %add3A_341 = arith.constant 0 : i32
      %add3A_342 = arith.addi %add3A_341, %mul3A_340 : i32
      %get3A = arith.index_cast %add3A_342 : i32 to index
      %get3A_343 = tpu.vector_load %arg7[%get3A] {strides = array<i32>} : memref<16384xi32, #tpu.memory_space<vmem>>, vector<16xi32>,
      %mul3A_344 = arith.constant 16 : i32
      %mul3A_345 = arith.muli %scan3A_338, %mul3A_344 : i32
      %get3A_346 = arith.constant 0 : i32
      %get3A_347 = arith.index_cast %get3A_346 : i32 to index
      %get3A_348 = arith.index_cast %mul3A_345 : i32 to index
      %get3A_349 = tpu.vector_load %arg8[%get3A_347, %get3A_348] {strides = array<i32>} : memref<2x4096xf32, #tpu.memory_space<vmem>>, vector<16xf32>,
      tpu.vector_store_idx %arg6[%get3A_343], %get3A_349 {add = true} : memref<100000xf32, #tpu.memory_space<vmem>>[vector<16xi32>], vector<16xf32>,
      %scan3A_350 = arith.constant 1 : i32
      %scan3A_351 = arith.addi %scan3A_338, %scan3A_350 : i32
      %mul3A_352 = arith.constant 16 : i32
      %mul3A_353 = arith.muli %scan3A_351, %mul3A_352 : i32
      %add3A_354 = arith.constant 0 : i32
      %add3A_355 = arith.addi %add3A_354, %mul3A_353 : i32
      %get3A_356 = arith.index_cast %add3A_355 : i32 to index
      %get3A_357 = tpu.vector_load %arg7[%get3A_356] {strides = array<i32>} : memref<16384xi32, #tpu.memory_space<vmem>>, vector<16xi32>,
      %mul3A_358 = arith.constant 16 : i32
      %mul3A_359 = arith.muli %scan3A_351, %mul3A_358 : i32
      %get3A_360 = arith.constant 0 : i32
      %get3A_361 = arith.index_cast %get3A_360 : i32 to index
      %get3A_362 = arith.index_cast %mul3A_359 : i32 to index
      %get3A_363 = tpu.vector_load %arg8[%get3A_361, %get3A_362] {strides = array<i32>} : memref<2x4096xf32, #tpu.memory_space<vmem>>, vector<16xf32>,
      tpu.vector_store_idx %arg6[%get3A_357], %get3A_363 {add = true} : memref<100000xf32, #tpu.memory_space<vmem>>[vector<16xi32>], vector<16xf32>,
      %scan3A_364 = arith.constant 2 : i32
      %scan3A_365 = arith.addi %scan3A_338, %scan3A_364 : i32
      %mul3A_366 = arith.constant 16 : i32
      %mul3A_367 = arith.muli %scan3A_365, %mul3A_366 : i32
      %add3A_368 = arith.constant 0 : i32
      %add3A_369 = arith.addi %add3A_368, %mul3A_367 : i32
      %get3A_370 = arith.index_cast %add3A_369 : i32 to index
      %get3A_371 = tpu.vector_load %arg7[%get3A_370] {strides = array<i32>} : memref<16384xi32, #tpu.memory_space<vmem>>, vector<16xi32>,
      %mul3A_372 = arith.constant 16 : i32
      %mul3A_373 = arith.muli %scan3A_365, %mul3A_372 : i32
      %get3A_374 = arith.constant 0 : i32
      %get3A_375 = arith.index_cast %get3A_374 : i32 to index
      %get3A_376 = arith.index_cast %mul3A_373 : i32 to index
      %get3A_377 = tpu.vector_load %arg8[%get3A_375, %get3A_376] {strides = array<i32>} : memref<2x4096xf32, #tpu.memory_space<vmem>>, vector<16xf32>,
      tpu.vector_store_idx %arg6[%get3A_371], %get3A_377 {add = true} : memref<100000xf32, #tpu.memory_space<vmem>>[vector<16xi32>], vector<16xf32>,
      %scan3A_378 = arith.constant 3 : i32
      %scan3A_379 = arith.addi %scan3A_338, %scan3A_378 : i32
      %mul3A_380 = arith.constant 16 : i32
      %mul3A_381 = arith.muli %scan3A_379, %mul3A_380 : i32
      %add3A_382 = arith.constant 0 : i32
      %add3A_383 = arith.addi %add3A_382, %mul3A_381 : i32
      %get3A_384 = arith.index_cast %add3A_383 : i32 to index
      %get3A_385 = tpu.vector_load %arg7[%get3A_384] {strides = array<i32>} : memref<16384xi32, #tpu.memory_space<vmem>>, vector<16xi32>,
      %mul3A_386 = arith.constant 16 : i32
      %mul3A_387 = arith.muli %scan3A_379, %mul3A_386 : i32
      %get3A_388 = arith.constant 0 : i32
      %get3A_389 = arith.index_cast %get3A_388 : i32 to index
      %get3A_390 = arith.index_cast %mul3A_387 : i32 to index
      %get3A_391 = tpu.vector_load %arg8[%get3A_389, %get3A_390] {strides = array<i32>} : memref<2x4096xf32, #tpu.memory_space<vmem>>, vector<16xf32>,
      tpu.vector_store_idx %arg6[%get3A_385], %get3A_391 {add = true} : memref<100000xf32, #tpu.memory_space<vmem>>[vector<16xi32>], vector<16xf32>,
      %scan3A_392 = arith.constant 4 : i32
      %scan3A_393 = arith.addi %scan3A_338, %scan3A_392 : i32
      %mul3A_394 = arith.constant 16 : i32
      %mul3A_395 = arith.muli %scan3A_393, %mul3A_394 : i32
      %add3A_396 = arith.constant 0 : i32
      %add3A_397 = arith.addi %add3A_396, %mul3A_395 : i32
      %get3A_398 = arith.index_cast %add3A_397 : i32 to index
      %get3A_399 = tpu.vector_load %arg7[%get3A_398] {strides = array<i32>} : memref<16384xi32, #tpu.memory_space<vmem>>, vector<16xi32>,
      %mul3A_400 = arith.constant 16 : i32
      %mul3A_401 = arith.muli %scan3A_393, %mul3A_400 : i32
      %get3A_402 = arith.constant 0 : i32
      %get3A_403 = arith.index_cast %get3A_402 : i32 to index
      %get3A_404 = arith.index_cast %mul3A_401 : i32 to index
      %get3A_405 = tpu.vector_load %arg8[%get3A_403, %get3A_404] {strides = array<i32>} : memref<2x4096xf32, #tpu.memory_space<vmem>>, vector<16xf32>,
      tpu.vector_store_idx %arg6[%get3A_399], %get3A_405 {add = true} : memref<100000xf32, #tpu.memory_space<vmem>>[vector<16xi32>], vector<16xf32>,
      %scan3A_406 = arith.constant 5 : i32
      %scan3A_407 = arith.addi %scan3A_338, %scan3A_406 : i32
      %mul3A_408 = arith.constant 16 : i32
      %mul3A_409 = arith.muli %scan3A_407, %mul3A_408 : i32
      %add3A_410 = arith.constant 0 : i32
      %add3A_411 = arith.addi %add3A_410, %mul3A_409 : i32
      %get3A_412 = arith.index_cast %add3A_411 : i32 to index
      %get3A_413 = tpu.vector_load %arg7[%get3A_412] {strides = array<i32>} : memref<16384xi32, #tpu.memory_space<vmem>>, vector<16xi32>,
      %mul3A_414 = arith.constant 16 : i32
      %mul3A_415 = arith.muli %scan3A_407, %mul3A_414 : i32
      %get3A_416 = arith.constant 0 : i32
      %get3A_417 = arith.index_cast %get3A_416 : i32 to index
      %get3A_418 = arith.index_cast %mul3A_415 : i32 to index
      %get3A_419 = tpu.vector_load %arg8[%get3A_417, %get3A_418] {strides = array<i32>} : memref<2x4096xf32, #tpu.memory_space<vmem>>, vector<16xf32>,
      tpu.vector_store_idx %arg6[%get3A_413], %get3A_419 {add = true} : memref<100000xf32, #tpu.memory_space<vmem>>[vector<16xi32>], vector<16xf32>,
      %scan3A_420 = arith.constant 6 : i32
      %scan3A_421 = arith.addi %scan3A_338, %scan3A_420 : i32
      %mul3A_422 = arith.constant 16 : i32
      %mul3A_423 = arith.muli %scan3A_421, %mul3A_422 : i32
      %add3A_424 = arith.constant 0 : i32
      %add3A_425 = arith.addi %add3A_424, %mul3A_423 : i32
      %get3A_426 = arith.index_cast %add3A_425 : i32 to index
      %get3A_427 = tpu.vector_load %arg7[%get3A_426] {strides = array<i32>} : memref<16384xi32, #tpu.memory_space<vmem>>, vector<16xi32>,
      %mul3A_428 = arith.constant 16 : i32
      %mul3A_429 = arith.muli %scan3A_421, %mul3A_428 : i32
      %get3A_430 = arith.constant 0 : i32
      %get3A_431 = arith.index_cast %get3A_430 : i32 to index
      %get3A_432 = arith.index_cast %mul3A_429 : i32 to index
      %get3A_433 = tpu.vector_load %arg8[%get3A_431, %get3A_432] {strides = array<i32>} : memref<2x4096xf32, #tpu.memory_space<vmem>>, vector<16xf32>,
      tpu.vector_store_idx %arg6[%get3A_427], %get3A_433 {add = true} : memref<100000xf32, #tpu.memory_space<vmem>>[vector<16xi32>], vector<16xf32>,
      %scan3A_434 = arith.constant 7 : i32
      %scan3A_435 = arith.addi %scan3A_338, %scan3A_434 : i32
      %mul3A_436 = arith.constant 16 : i32
      %mul3A_437 = arith.muli %scan3A_435, %mul3A_436 : i32
      %add3A_438 = arith.constant 0 : i32
      %add3A_439 = arith.addi %add3A_438, %mul3A_437 : i32
      %get3A_440 = arith.index_cast %add3A_439 : i32 to index
      %get3A_441 = tpu.vector_load %arg7[%get3A_440] {strides = array<i32>} : memref<16384xi32, #tpu.memory_space<vmem>>, vector<16xi32>,
      %mul3A_442 = arith.constant 16 : i32
      %mul3A_443 = arith.muli %scan3A_435, %mul3A_442 : i32
      %get3A_444 = arith.constant 0 : i32
      %get3A_445 = arith.index_cast %get3A_444 : i32 to index
      %get3A_446 = arith.index_cast %mul3A_443 : i32 to index
      %get3A_447 = tpu.vector_load %arg8[%get3A_445, %get3A_446] {strides = array<i32>} : memref<2x4096xf32, #tpu.memory_space<vmem>>, vector<16xf32>,
      tpu.vector_store_idx %arg6[%get3A_441], %get3A_447 {add = true} : memref<100000xf32, #tpu.memory_space<vmem>>[vector<16xi32>], vector<16xf32>,
    }
    %scan3A_70 = arith.constant 256 : i32
    %dma_start3A_71 = arith.constant 0 : i32
    %dma_start3A_72 = arith.constant 0 : i32
    %dma_start3A_73 = tpu.memref_slice %arg8[%dma_start3A_71, %dma_start3A_72] : memref<2x4096xf32, #tpu.memory_space<vmem>> -> memref<1x4096xf32, #tpu.memory_space<vmem>>
    %dma_start3A_74 = tpu.memref_squeeze %dma_start3A_73 : memref<1x4096xf32, #tpu.memory_space<vmem>> -> memref<4096xf32, #tpu.memory_space<vmem>>
    %dma_start3A_75 = arith.constant 8192 : i32
    %dma_start3A_76 = tpu.memref_slice %arg4[%add3A_28, %dma_start3A_75] : memref<64x16384xf32, #tpu.memory_space<hbm>> -> memref<1x4096xf32, #tpu.memory_space<hbm>>
    %dma_start3A_77 = tpu.memref_squeeze %dma_start3A_76 : memref<1x4096xf32, #tpu.memory_space<hbm>> -> memref<4096xf32, #tpu.memory_space<hbm>>
    %dma_start3A_78 = arith.constant 0 : i32
    %dma_start3A_79 = tpu.memref_slice %arg8[%dma_start3A_71, %dma_start3A_78] : memref<2x4096xf32, #tpu.memory_space<vmem>> -> memref<1x4096xf32, #tpu.memory_space<vmem>>
    %dma_start3A_80 = tpu.memref_squeeze %dma_start3A_79 : memref<1x4096xf32, #tpu.memory_space<vmem>> -> memref<4096xf32, #tpu.memory_space<vmem>>
    %dma_start3A_81 = arith.constant 8192 : i32
    %dma_start3A_82 = tpu.memref_slice %arg4[%add3A_28, %dma_start3A_81] : memref<64x16384xf32, #tpu.memory_space<hbm>> -> memref<1x4096xf32, #tpu.memory_space<hbm>>
    %dma_start3A_83 = tpu.memref_squeeze %dma_start3A_82 : memref<1x4096xf32, #tpu.memory_space<hbm>> -> memref<4096xf32, #tpu.memory_space<hbm>>
    tpu.enqueue_dma source(%dma_start3A_83 : memref<4096xf32, #tpu.memory_space<hbm>>) target(%dma_start3A_80 : memref<4096xf32, #tpu.memory_space<vmem>>) target_semaphore(%arg12 : memref<!tpu.dma_semaphore, #tpu.memory_space<semaphore_mem>>)
    %dma_wait3A_84 = arith.constant 1 : i32
    %dma_wait3A_85 = arith.constant 0 : i32
    %dma_wait3A_86 = tpu.memref_slice %arg8[%dma_wait3A_84, %dma_wait3A_85] : memref<2x4096xf32, #tpu.memory_space<vmem>> -> memref<1x4096xf32, #tpu.memory_space<vmem>>
    %dma_wait3A_87 = tpu.memref_squeeze %dma_wait3A_86 : memref<1x4096xf32, #tpu.memory_space<vmem>> -> memref<4096xf32, #tpu.memory_space<vmem>>
    %dma_wait3A_88 = arith.constant 4096 : i32
    %dma_wait3A_89 = tpu.memref_slice %arg4[%add3A_28, %dma_wait3A_88] : memref<64x16384xf32, #tpu.memory_space<hbm>> -> memref<1x4096xf32, #tpu.memory_space<hbm>>
    %dma_wait3A_90 = tpu.memref_squeeze %dma_wait3A_89 : memref<1x4096xf32, #tpu.memory_space<hbm>> -> memref<4096xf32, #tpu.memory_space<hbm>>
    %dma_wait3A_91 = arith.constant 0 : i32
    %dma_wait3A_92 = tpu.memref_slice %arg8[%dma_wait3A_84, %dma_wait3A_91] : memref<2x4096xf32, #tpu.memory_space<vmem>> -> memref<1x4096xf32, #tpu.memory_space<vmem>>
    %dma_wait3A_93 = tpu.memref_squeeze %dma_wait3A_92 : memref<1x4096xf32, #tpu.memory_space<vmem>> -> memref<4096xf32, #tpu.memory_space<vmem>>
    %dma_wait3A_94 = arith.constant 4096 : i32
    %dma_wait3A_95 = tpu.memref_slice %arg4[%add3A_28, %dma_wait3A_94] : memref<64x16384xf32, #tpu.memory_space<hbm>> -> memref<1x4096xf32, #tpu.memory_space<hbm>>
    %dma_wait3A_96 = tpu.memref_squeeze %dma_wait3A_95 : memref<1x4096xf32, #tpu.memory_space<hbm>> -> memref<4096xf32, #tpu.memory_space<hbm>>
    tpu.wait_dma2 semaphore(%arg13 : memref<!tpu.dma_semaphore, #tpu.memory_space<semaphore_mem>>) src(%dma_wait3A_96 : memref<4096xf32, #tpu.memory_space<hbm>>) dst(%dma_wait3A_93 : memref<4096xf32, #tpu.memory_space<vmem>>)
    %scan3A_97 = arith.constant 0 : i32
    %scan3A_98 = arith.constant 0 : i32
    %scan3A_99 = arith.constant 256 : i32
    %scan3A_100 = arith.addi %scan3A_98, %scan3A_99 : i32
    %scan3A_101 = arith.constant 8 : i32
    scf.for %scan3A_338 = %scan3A_98 to %scan3A_100 step %scan3A_101  : i32 {
      %mul3A_339 = arith.constant 16 : i32
      %mul3A_340 = arith.muli %scan3A_338, %mul3A_339 : i32
      %add3A_341 = arith.constant 4096 : i32
      %add3A_342 = arith.addi %add3A_341, %mul3A_340 : i32
      %get3A = arith.index_cast %add3A_342 : i32 to index
      %get3A_343 = tpu.vector_load %arg7[%get3A] {strides = array<i32>} : memref<16384xi32, #tpu.memory_space<vmem>>, vector<16xi32>,
      %mul3A_344 = arith.constant 16 : i32
      %mul3A_345 = arith.muli %scan3A_338, %mul3A_344 : i32
      %get3A_346 = arith.constant 1 : i32
      %get3A_347 = arith.index_cast %get3A_346 : i32 to index
      %get3A_348 = arith.index_cast %mul3A_345 : i32 to index
      %get3A_349 = tpu.vector_load %arg8[%get3A_347, %get3A_348] {strides = array<i32>} : memref<2x4096xf32, #tpu.memory_space<vmem>>, vector<16xf32>,
      tpu.vector_store_idx %arg6[%get3A_343], %get3A_349 {add = true} : memref<100000xf32, #tpu.memory_space<vmem>>[vector<16xi32>], vector<16xf32>,
      %scan3A_350 = arith.constant 1 : i32
      %scan3A_351 = arith.addi %scan3A_338, %scan3A_350 : i32
      %mul3A_352 = arith.constant 16 : i32
      %mul3A_353 = arith.muli %scan3A_351, %mul3A_352 : i32
      %add3A_354 = arith.constant 4096 : i32
      %add3A_355 = arith.addi %add3A_354, %mul3A_353 : i32
      %get3A_356 = arith.index_cast %add3A_355 : i32 to index
      %get3A_357 = tpu.vector_load %arg7[%get3A_356] {strides = array<i32>} : memref<16384xi32, #tpu.memory_space<vmem>>, vector<16xi32>,
      %mul3A_358 = arith.constant 16 : i32
      %mul3A_359 = arith.muli %scan3A_351, %mul3A_358 : i32
      %get3A_360 = arith.constant 1 : i32
      %get3A_361 = arith.index_cast %get3A_360 : i32 to index
      %get3A_362 = arith.index_cast %mul3A_359 : i32 to index
      %get3A_363 = tpu.vector_load %arg8[%get3A_361, %get3A_362] {strides = array<i32>} : memref<2x4096xf32, #tpu.memory_space<vmem>>, vector<16xf32>,
      tpu.vector_store_idx %arg6[%get3A_357], %get3A_363 {add = true} : memref<100000xf32, #tpu.memory_space<vmem>>[vector<16xi32>], vector<16xf32>,
      %scan3A_364 = arith.constant 2 : i32
      %scan3A_365 = arith.addi %scan3A_338, %scan3A_364 : i32
      %mul3A_366 = arith.constant 16 : i32
      %mul3A_367 = arith.muli %scan3A_365, %mul3A_366 : i32
      %add3A_368 = arith.constant 4096 : i32
      %add3A_369 = arith.addi %add3A_368, %mul3A_367 : i32
      %get3A_370 = arith.index_cast %add3A_369 : i32 to index
      %get3A_371 = tpu.vector_load %arg7[%get3A_370] {strides = array<i32>} : memref<16384xi32, #tpu.memory_space<vmem>>, vector<16xi32>,
      %mul3A_372 = arith.constant 16 : i32
      %mul3A_373 = arith.muli %scan3A_365, %mul3A_372 : i32
      %get3A_374 = arith.constant 1 : i32
      %get3A_375 = arith.index_cast %get3A_374 : i32 to index
      %get3A_376 = arith.index_cast %mul3A_373 : i32 to index
      %get3A_377 = tpu.vector_load %arg8[%get3A_375, %get3A_376] {strides = array<i32>} : memref<2x4096xf32, #tpu.memory_space<vmem>>, vector<16xf32>,
      tpu.vector_store_idx %arg6[%get3A_371], %get3A_377 {add = true} : memref<100000xf32, #tpu.memory_space<vmem>>[vector<16xi32>], vector<16xf32>,
      %scan3A_378 = arith.constant 3 : i32
      %scan3A_379 = arith.addi %scan3A_338, %scan3A_378 : i32
      %mul3A_380 = arith.constant 16 : i32
      %mul3A_381 = arith.muli %scan3A_379, %mul3A_380 : i32
      %add3A_382 = arith.constant 4096 : i32
      %add3A_383 = arith.addi %add3A_382, %mul3A_381 : i32
      %get3A_384 = arith.index_cast %add3A_383 : i32 to index
      %get3A_385 = tpu.vector_load %arg7[%get3A_384] {strides = array<i32>} : memref<16384xi32, #tpu.memory_space<vmem>>, vector<16xi32>,
      %mul3A_386 = arith.constant 16 : i32
      %mul3A_387 = arith.muli %scan3A_379, %mul3A_386 : i32
      %get3A_388 = arith.constant 1 : i32
      %get3A_389 = arith.index_cast %get3A_388 : i32 to index
      %get3A_390 = arith.index_cast %mul3A_387 : i32 to index
      %get3A_391 = tpu.vector_load %arg8[%get3A_389, %get3A_390] {strides = array<i32>} : memref<2x4096xf32, #tpu.memory_space<vmem>>, vector<16xf32>,
      tpu.vector_store_idx %arg6[%get3A_385], %get3A_391 {add = true} : memref<100000xf32, #tpu.memory_space<vmem>>[vector<16xi32>], vector<16xf32>,
      %scan3A_392 = arith.constant 4 : i32
      %scan3A_393 = arith.addi %scan3A_338, %scan3A_392 : i32
      %mul3A_394 = arith.constant 16 : i32
      %mul3A_395 = arith.muli %scan3A_393, %mul3A_394 : i32
      %add3A_396 = arith.constant 4096 : i32
      %add3A_397 = arith.addi %add3A_396, %mul3A_395 : i32
      %get3A_398 = arith.index_cast %add3A_397 : i32 to index
      %get3A_399 = tpu.vector_load %arg7[%get3A_398] {strides = array<i32>} : memref<16384xi32, #tpu.memory_space<vmem>>, vector<16xi32>,
      %mul3A_400 = arith.constant 16 : i32
      %mul3A_401 = arith.muli %scan3A_393, %mul3A_400 : i32
      %get3A_402 = arith.constant 1 : i32
      %get3A_403 = arith.index_cast %get3A_402 : i32 to index
      %get3A_404 = arith.index_cast %mul3A_401 : i32 to index
      %get3A_405 = tpu.vector_load %arg8[%get3A_403, %get3A_404] {strides = array<i32>} : memref<2x4096xf32, #tpu.memory_space<vmem>>, vector<16xf32>,
      tpu.vector_store_idx %arg6[%get3A_399], %get3A_405 {add = true} : memref<100000xf32, #tpu.memory_space<vmem>>[vector<16xi32>], vector<16xf32>,
      %scan3A_406 = arith.constant 5 : i32
      %scan3A_407 = arith.addi %scan3A_338, %scan3A_406 : i32
      %mul3A_408 = arith.constant 16 : i32
      %mul3A_409 = arith.muli %scan3A_407, %mul3A_408 : i32
      %add3A_410 = arith.constant 4096 : i32
      %add3A_411 = arith.addi %add3A_410, %mul3A_409 : i32
      %get3A_412 = arith.index_cast %add3A_411 : i32 to index
      %get3A_413 = tpu.vector_load %arg7[%get3A_412] {strides = array<i32>} : memref<16384xi32, #tpu.memory_space<vmem>>, vector<16xi32>,
      %mul3A_414 = arith.constant 16 : i32
      %mul3A_415 = arith.muli %scan3A_407, %mul3A_414 : i32
      %get3A_416 = arith.constant 1 : i32
      %get3A_417 = arith.index_cast %get3A_416 : i32 to index
      %get3A_418 = arith.index_cast %mul3A_415 : i32 to index
      %get3A_419 = tpu.vector_load %arg8[%get3A_417, %get3A_418] {strides = array<i32>} : memref<2x4096xf32, #tpu.memory_space<vmem>>, vector<16xf32>,
      tpu.vector_store_idx %arg6[%get3A_413], %get3A_419 {add = true} : memref<100000xf32, #tpu.memory_space<vmem>>[vector<16xi32>], vector<16xf32>,
      %scan3A_420 = arith.constant 6 : i32
      %scan3A_421 = arith.addi %scan3A_338, %scan3A_420 : i32
      %mul3A_422 = arith.constant 16 : i32
      %mul3A_423 = arith.muli %scan3A_421, %mul3A_422 : i32
      %add3A_424 = arith.constant 4096 : i32
      %add3A_425 = arith.addi %add3A_424, %mul3A_423 : i32
      %get3A_426 = arith.index_cast %add3A_425 : i32 to index
      %get3A_427 = tpu.vector_load %arg7[%get3A_426] {strides = array<i32>} : memref<16384xi32, #tpu.memory_space<vmem>>, vector<16xi32>,
      %mul3A_428 = arith.constant 16 : i32
      %mul3A_429 = arith.muli %scan3A_421, %mul3A_428 : i32
      %get3A_430 = arith.constant 1 : i32
      %get3A_431 = arith.index_cast %get3A_430 : i32 to index
      %get3A_432 = arith.index_cast %mul3A_429 : i32 to index
      %get3A_433 = tpu.vector_load %arg8[%get3A_431, %get3A_432] {strides = array<i32>} : memref<2x4096xf32, #tpu.memory_space<vmem>>, vector<16xf32>,
      tpu.vector_store_idx %arg6[%get3A_427], %get3A_433 {add = true} : memref<100000xf32, #tpu.memory_space<vmem>>[vector<16xi32>], vector<16xf32>,
      %scan3A_434 = arith.constant 7 : i32
      %scan3A_435 = arith.addi %scan3A_338, %scan3A_434 : i32
      %mul3A_436 = arith.constant 16 : i32
      %mul3A_437 = arith.muli %scan3A_435, %mul3A_436 : i32
      %add3A_438 = arith.constant 4096 : i32
      %add3A_439 = arith.addi %add3A_438, %mul3A_437 : i32
      %get3A_440 = arith.index_cast %add3A_439 : i32 to index
      %get3A_441 = tpu.vector_load %arg7[%get3A_440] {strides = array<i32>} : memref<16384xi32, #tpu.memory_space<vmem>>, vector<16xi32>,
      %mul3A_442 = arith.constant 16 : i32
      %mul3A_443 = arith.muli %scan3A_435, %mul3A_442 : i32
      %get3A_444 = arith.constant 1 : i32
      %get3A_445 = arith.index_cast %get3A_444 : i32 to index
      %get3A_446 = arith.index_cast %mul3A_443 : i32 to index
      %get3A_447 = tpu.vector_load %arg8[%get3A_445, %get3A_446] {strides = array<i32>} : memref<2x4096xf32, #tpu.memory_space<vmem>>, vector<16xf32>,
      tpu.vector_store_idx %arg6[%get3A_441], %get3A_447 {add = true} : memref<100000xf32, #tpu.memory_space<vmem>>[vector<16xi32>], vector<16xf32>,
    }
    %scan3A_102 = arith.constant 256 : i32
    %dma_start3A_103 = arith.constant 1 : i32
    %dma_start3A_104 = arith.constant 0 : i32
    %dma_start3A_105 = tpu.memref_slice %arg8[%dma_start3A_103, %dma_start3A_104] : memref<2x4096xf32, #tpu.memory_space<vmem>> -> memref<1x4096xf32, #tpu.memory_space<vmem>>
    %dma_start3A_106 = tpu.memref_squeeze %dma_start3A_105 : memref<1x4096xf32, #tpu.memory_space<vmem>> -> memref<4096xf32, #tpu.memory_space<vmem>>
    %dma_start3A_107 = arith.constant 12288 : i32
    %dma_start3A_108 = tpu.memref_slice %arg4[%add3A_28, %dma_start3A_107] : memref<64x16384xf32, #tpu.memory_space<hbm>> -> memref<1x4096xf32, #tpu.memory_space<hbm>>
    %dma_start3A_109 = tpu.memref_squeeze %dma_start3A_108 : memref<1x4096xf32, #tpu.memory_space<hbm>> -> memref<4096xf32, #tpu.memory_space<hbm>>
    %dma_start3A_110 = arith.constant 0 : i32
    %dma_start3A_111 = tpu.memref_slice %arg8[%dma_start3A_103, %dma_start3A_110] : memref<2x4096xf32, #tpu.memory_space<vmem>> -> memref<1x4096xf32, #tpu.memory_space<vmem>>
    %dma_start3A_112 = tpu.memref_squeeze %dma_start3A_111 : memref<1x4096xf32, #tpu.memory_space<vmem>> -> memref<4096xf32, #tpu.memory_space<vmem>>
    %dma_start3A_113 = arith.constant 12288 : i32
    %dma_start3A_114 = tpu.memref_slice %arg4[%add3A_28, %dma_start3A_113] : memref<64x16384xf32, #tpu.memory_space<hbm>> -> memref<1x4096xf32, #tpu.memory_space<hbm>>
    %dma_start3A_115 = tpu.memref_squeeze %dma_start3A_114 : memref<1x4096xf32, #tpu.memory_space<hbm>> -> memref<4096xf32, #tpu.memory_space<hbm>>
    tpu.enqueue_dma source(%dma_start3A_115 : memref<4096xf32, #tpu.memory_space<hbm>>) target(%dma_start3A_112 : memref<4096xf32, #tpu.memory_space<vmem>>) target_semaphore(%arg13 : memref<!tpu.dma_semaphore, #tpu.memory_space<semaphore_mem>>)
    %dma_wait3A_116 = arith.constant 0 : i32
    %dma_wait3A_117 = arith.constant 0 : i32
    %dma_wait3A_118 = tpu.memref_slice %arg8[%dma_wait3A_116, %dma_wait3A_117] : memref<2x4096xf32, #tpu.memory_space<vmem>> -> memref<1x4096xf32, #tpu.memory_space<vmem>>
    %dma_wait3A_119 = tpu.memref_squeeze %dma_wait3A_118 : memref<1x4096xf32, #tpu.memory_space<vmem>> -> memref<4096xf32, #tpu.memory_space<vmem>>
    %dma_wait3A_120 = arith.constant 8192 : i32
    %dma_wait3A_121 = tpu.memref_slice %arg4[%add3A_28, %dma_wait3A_120] : memref<64x16384xf32, #tpu.memory_space<hbm>> -> memref<1x4096xf32, #tpu.memory_space<hbm>>
    %dma_wait3A_122 = tpu.memref_squeeze %dma_wait3A_121 : memref<1x4096xf32, #tpu.memory_space<hbm>> -> memref<4096xf32, #tpu.memory_space<hbm>>
    %dma_wait3A_123 = arith.constant 0 : i32
    %dma_wait3A_124 = tpu.memref_slice %arg8[%dma_wait3A_116, %dma_wait3A_123] : memref<2x4096xf32, #tpu.memory_space<vmem>> -> memref<1x4096xf32, #tpu.memory_space<vmem>>
    %dma_wait3A_125 = tpu.memref_squeeze %dma_wait3A_124 : memref<1x4096xf32, #tpu.memory_space<vmem>> -> memref<4096xf32, #tpu.memory_space<vmem>>
    %dma_wait3A_126 = arith.constant 8192 : i32
    %dma_wait3A_127 = tpu.memref_slice %arg4[%add3A_28, %dma_wait3A_126] : memref<64x16384xf32, #tpu.memory_space<hbm>> -> memref<1x4096xf32, #tpu.memory_space<hbm>>
    %dma_wait3A_128 = tpu.memref_squeeze %dma_wait3A_127 : memref<1x4096xf32, #tpu.memory_space<hbm>> -> memref<4096xf32, #tpu.memory_space<hbm>>
    tpu.wait_dma2 semaphore(%arg12 : memref<!tpu.dma_semaphore, #tpu.memory_space<semaphore_mem>>) src(%dma_wait3A_128 : memref<4096xf32, #tpu.memory_space<hbm>>) dst(%dma_wait3A_125 : memref<4096xf32, #tpu.memory_space<vmem>>)
    %scan3A_129 = arith.constant 0 : i32
    %scan3A_130 = arith.constant 0 : i32
    %scan3A_131 = arith.constant 256 : i32
    %scan3A_132 = arith.addi %scan3A_130, %scan3A_131 : i32
    %scan3A_133 = arith.constant 8 : i32
    scf.for %scan3A_338 = %scan3A_130 to %scan3A_132 step %scan3A_133  : i32 {
      %mul3A_339 = arith.constant 16 : i32
      %mul3A_340 = arith.muli %scan3A_338, %mul3A_339 : i32
      %add3A_341 = arith.constant 8192 : i32
      %add3A_342 = arith.addi %add3A_341, %mul3A_340 : i32
      %get3A = arith.index_cast %add3A_342 : i32 to index
      %get3A_343 = tpu.vector_load %arg7[%get3A] {strides = array<i32>} : memref<16384xi32, #tpu.memory_space<vmem>>, vector<16xi32>,
      %mul3A_344 = arith.constant 16 : i32
      %mul3A_345 = arith.muli %scan3A_338, %mul3A_344 : i32
      %get3A_346 = arith.constant 0 : i32
      %get3A_347 = arith.index_cast %get3A_346 : i32 to index
      %get3A_348 = arith.index_cast %mul3A_345 : i32 to index
      %get3A_349 = tpu.vector_load %arg8[%get3A_347, %get3A_348] {strides = array<i32>} : memref<2x4096xf32, #tpu.memory_space<vmem>>, vector<16xf32>,
      tpu.vector_store_idx %arg6[%get3A_343], %get3A_349 {add = true} : memref<100000xf32, #tpu.memory_space<vmem>>[vector<16xi32>], vector<16xf32>,
      %scan3A_350 = arith.constant 1 : i32
      %scan3A_351 = arith.addi %scan3A_338, %scan3A_350 : i32
      %mul3A_352 = arith.constant 16 : i32
      %mul3A_353 = arith.muli %scan3A_351, %mul3A_352 : i32
      %add3A_354 = arith.constant 8192 : i32
      %add3A_355 = arith.addi %add3A_354, %mul3A_353 : i32
      %get3A_356 = arith.index_cast %add3A_355 : i32 to index
      %get3A_357 = tpu.vector_load %arg7[%get3A_356] {strides = array<i32>} : memref<16384xi32, #tpu.memory_space<vmem>>, vector<16xi32>,
      %mul3A_358 = arith.constant 16 : i32
      %mul3A_359 = arith.muli %scan3A_351, %mul3A_358 : i32
      %get3A_360 = arith.constant 0 : i32
      %get3A_361 = arith.index_cast %get3A_360 : i32 to index
      %get3A_362 = arith.index_cast %mul3A_359 : i32 to index
      %get3A_363 = tpu.vector_load %arg8[%get3A_361, %get3A_362] {strides = array<i32>} : memref<2x4096xf32, #tpu.memory_space<vmem>>, vector<16xf32>,
      tpu.vector_store_idx %arg6[%get3A_357], %get3A_363 {add = true} : memref<100000xf32, #tpu.memory_space<vmem>>[vector<16xi32>], vector<16xf32>,
      %scan3A_364 = arith.constant 2 : i32
      %scan3A_365 = arith.addi %scan3A_338, %scan3A_364 : i32
      %mul3A_366 = arith.constant 16 : i32
      %mul3A_367 = arith.muli %scan3A_365, %mul3A_366 : i32
      %add3A_368 = arith.constant 8192 : i32
      %add3A_369 = arith.addi %add3A_368, %mul3A_367 : i32
      %get3A_370 = arith.index_cast %add3A_369 : i32 to index
      %get3A_371 = tpu.vector_load %arg7[%get3A_370] {strides = array<i32>} : memref<16384xi32, #tpu.memory_space<vmem>>, vector<16xi32>,
      %mul3A_372 = arith.constant 16 : i32
      %mul3A_373 = arith.muli %scan3A_365, %mul3A_372 : i32
      %get3A_374 = arith.constant 0 : i32
      %get3A_375 = arith.index_cast %get3A_374 : i32 to index
      %get3A_376 = arith.index_cast %mul3A_373 : i32 to index
      %get3A_377 = tpu.vector_load %arg8[%get3A_375, %get3A_376] {strides = array<i32>} : memref<2x4096xf32, #tpu.memory_space<vmem>>, vector<16xf32>,
      tpu.vector_store_idx %arg6[%get3A_371], %get3A_377 {add = true} : memref<100000xf32, #tpu.memory_space<vmem>>[vector<16xi32>], vector<16xf32>,
      %scan3A_378 = arith.constant 3 : i32
      %scan3A_379 = arith.addi %scan3A_338, %scan3A_378 : i32
      %mul3A_380 = arith.constant 16 : i32
      %mul3A_381 = arith.muli %scan3A_379, %mul3A_380 : i32
      %add3A_382 = arith.constant 8192 : i32
      %add3A_383 = arith.addi %add3A_382, %mul3A_381 : i32
      %get3A_384 = arith.index_cast %add3A_383 : i32 to index
      %get3A_385 = tpu.vector_load %arg7[%get3A_384] {strides = array<i32>} : memref<16384xi32, #tpu.memory_space<vmem>>, vector<16xi32>,
      %mul3A_386 = arith.constant 16 : i32
      %mul3A_387 = arith.muli %scan3A_379, %mul3A_386 : i32
      %get3A_388 = arith.constant 0 : i32
      %get3A_389 = arith.index_cast %get3A_388 : i32 to index
      %get3A_390 = arith.index_cast %mul3A_387 : i32 to index
      %get3A_391 = tpu.vector_load %arg8[%get3A_389, %get3A_390] {strides = array<i32>} : memref<2x4096xf32, #tpu.memory_space<vmem>>, vector<16xf32>,
      tpu.vector_store_idx %arg6[%get3A_385], %get3A_391 {add = true} : memref<100000xf32, #tpu.memory_space<vmem>>[vector<16xi32>], vector<16xf32>,
      %scan3A_392 = arith.constant 4 : i32
      %scan3A_393 = arith.addi %scan3A_338, %scan3A_392 : i32
      %mul3A_394 = arith.constant 16 : i32
      %mul3A_395 = arith.muli %scan3A_393, %mul3A_394 : i32
      %add3A_396 = arith.constant 8192 : i32
      %add3A_397 = arith.addi %add3A_396, %mul3A_395 : i32
      %get3A_398 = arith.index_cast %add3A_397 : i32 to index
      %get3A_399 = tpu.vector_load %arg7[%get3A_398] {strides = array<i32>} : memref<16384xi32, #tpu.memory_space<vmem>>, vector<16xi32>,
      %mul3A_400 = arith.constant 16 : i32
      %mul3A_401 = arith.muli %scan3A_393, %mul3A_400 : i32
      %get3A_402 = arith.constant 0 : i32
      %get3A_403 = arith.index_cast %get3A_402 : i32 to index
      %get3A_404 = arith.index_cast %mul3A_401 : i32 to index
      %get3A_405 = tpu.vector_load %arg8[%get3A_403, %get3A_404] {strides = array<i32>} : memref<2x4096xf32, #tpu.memory_space<vmem>>, vector<16xf32>,
      tpu.vector_store_idx %arg6[%get3A_399], %get3A_405 {add = true} : memref<100000xf32, #tpu.memory_space<vmem>>[vector<16xi32>], vector<16xf32>,
      %scan3A_406 = arith.constant 5 : i32
      %scan3A_407 = arith.addi %scan3A_338, %scan3A_406 : i32
      %mul3A_408 = arith.constant 16 : i32
      %mul3A_409 = arith.muli %scan3A_407, %mul3A_408 : i32
      %add3A_410 = arith.constant 8192 : i32
      %add3A_411 = arith.addi %add3A_410, %mul3A_409 : i32
      %get3A_412 = arith.index_cast %add3A_411 : i32 to index
      %get3A_413 = tpu.vector_load %arg7[%get3A_412] {strides = array<i32>} : memref<16384xi32, #tpu.memory_space<vmem>>, vector<16xi32>,
      %mul3A_414 = arith.constant 16 : i32
      %mul3A_415 = arith.muli %scan3A_407, %mul3A_414 : i32
      %get3A_416 = arith.constant 0 : i32
      %get3A_417 = arith.index_cast %get3A_416 : i32 to index
      %get3A_418 = arith.index_cast %mul3A_415 : i32 to index
      %get3A_419 = tpu.vector_load %arg8[%get3A_417, %get3A_418] {strides = array<i32>} : memref<2x4096xf32, #tpu.memory_space<vmem>>, vector<16xf32>,
      tpu.vector_store_idx %arg6[%get3A_413], %get3A_419 {add = true} : memref<100000xf32, #tpu.memory_space<vmem>>[vector<16xi32>], vector<16xf32>,
      %scan3A_420 = arith.constant 6 : i32
      %scan3A_421 = arith.addi %scan3A_338, %scan3A_420 : i32
      %mul3A_422 = arith.constant 16 : i32
      %mul3A_423 = arith.muli %scan3A_421, %mul3A_422 : i32
      %add3A_424 = arith.constant 8192 : i32
      %add3A_425 = arith.addi %add3A_424, %mul3A_423 : i32
      %get3A_426 = arith.index_cast %add3A_425 : i32 to index
      %get3A_427 = tpu.vector_load %arg7[%get3A_426] {strides = array<i32>} : memref<16384xi32, #tpu.memory_space<vmem>>, vector<16xi32>,
      %mul3A_428 = arith.constant 16 : i32
      %mul3A_429 = arith.muli %scan3A_421, %mul3A_428 : i32
      %get3A_430 = arith.constant 0 : i32
      %get3A_431 = arith.index_cast %get3A_430 : i32 to index
      %get3A_432 = arith.index_cast %mul3A_429 : i32 to index
      %get3A_433 = tpu.vector_load %arg8[%get3A_431, %get3A_432] {strides = array<i32>} : memref<2x4096xf32, #tpu.memory_space<vmem>>, vector<16xf32>,
      tpu.vector_store_idx %arg6[%get3A_427], %get3A_433 {add = true} : memref<100000xf32, #tpu.memory_space<vmem>>[vector<16xi32>], vector<16xf32>,
      %scan3A_434 = arith.constant 7 : i32
      %scan3A_435 = arith.addi %scan3A_338, %scan3A_434 : i32
      %mul3A_436 = arith.constant 16 : i32
      %mul3A_437 = arith.muli %scan3A_435, %mul3A_436 : i32
      %add3A_438 = arith.constant 8192 : i32
      %add3A_439 = arith.addi %add3A_438, %mul3A_437 : i32
      %get3A_440 = arith.index_cast %add3A_439 : i32 to index
      %get3A_441 = tpu.vector_load %arg7[%get3A_440] {strides = array<i32>} : memref<16384xi32, #tpu.memory_space<vmem>>, vector<16xi32>,
      %mul3A_442 = arith.constant 16 : i32
      %mul3A_443 = arith.muli %scan3A_435, %mul3A_442 : i32
      %get3A_444 = arith.constant 0 : i32
      %get3A_445 = arith.index_cast %get3A_444 : i32 to index
      %get3A_446 = arith.index_cast %mul3A_443 : i32 to index
      %get3A_447 = tpu.vector_load %arg8[%get3A_445, %get3A_446] {strides = array<i32>} : memref<2x4096xf32, #tpu.memory_space<vmem>>, vector<16xf32>,
      tpu.vector_store_idx %arg6[%get3A_441], %get3A_447 {add = true} : memref<100000xf32, #tpu.memory_space<vmem>>[vector<16xi32>], vector<16xf32>,
    }
    %scan3A_134 = arith.constant 256 : i32
    %add3A_135 = arith.constant 32 : i32
    %add3A_136 = arith.addi %add3A_28, %add3A_135 : i32
    %dma_start3A_137 = arith.constant 0 : i32
    %dma_start3A_138 = arith.constant 0 : i32
    %dma_start3A_139 = tpu.memref_slice %arg8[%dma_start3A_137, %dma_start3A_138] : memref<2x4096xf32, #tpu.memory_space<vmem>> -> memref<1x4096xf32, #tpu.memory_space<vmem>>
    %dma_start3A_140 = tpu.memref_squeeze %dma_start3A_139 : memref<1x4096xf32, #tpu.memory_space<vmem>> -> memref<4096xf32, #tpu.memory_space<vmem>>
    %dma_start3A_141 = arith.constant 0 : i32
    %dma_start3A_142 = tpu.memref_slice %arg4[%add3A_136, %dma_start3A_141] : memref<64x16384xf32, #tpu.memory_space<hbm>> -> memref<1x4096xf32, #tpu.memory_space<hbm>>
    %dma_start3A_143 = tpu.memref_squeeze %dma_start3A_142 : memref<1x4096xf32, #tpu.memory_space<hbm>> -> memref<4096xf32, #tpu.memory_space<hbm>>
    %dma_start3A_144 = arith.constant 0 : i32
    %dma_start3A_145 = tpu.memref_slice %arg8[%dma_start3A_137, %dma_start3A_144] : memref<2x4096xf32, #tpu.memory_space<vmem>> -> memref<1x4096xf32, #tpu.memory_space<vmem>>
    %dma_start3A_146 = tpu.memref_squeeze %dma_start3A_145 : memref<1x4096xf32, #tpu.memory_space<vmem>> -> memref<4096xf32, #tpu.memory_space<vmem>>
    %dma_start3A_147 = arith.constant 0 : i32
    %dma_start3A_148 = tpu.memref_slice %arg4[%add3A_136, %dma_start3A_147] : memref<64x16384xf32, #tpu.memory_space<hbm>> -> memref<1x4096xf32, #tpu.memory_space<hbm>>
    %dma_start3A_149 = tpu.memref_squeeze %dma_start3A_148 : memref<1x4096xf32, #tpu.memory_space<hbm>> -> memref<4096xf32, #tpu.memory_space<hbm>>
    tpu.enqueue_dma source(%dma_start3A_149 : memref<4096xf32, #tpu.memory_space<hbm>>) target(%dma_start3A_146 : memref<4096xf32, #tpu.memory_space<vmem>>) target_semaphore(%arg12 : memref<!tpu.dma_semaphore, #tpu.memory_space<semaphore_mem>>)
    %dma_wait3A_150 = arith.constant 1 : i32
    %dma_wait3A_151 = arith.constant 0 : i32
    %dma_wait3A_152 = tpu.memref_slice %arg8[%dma_wait3A_150, %dma_wait3A_151] : memref<2x4096xf32, #tpu.memory_space<vmem>> -> memref<1x4096xf32, #tpu.memory_space<vmem>>
    %dma_wait3A_153 = tpu.memref_squeeze %dma_wait3A_152 : memref<1x4096xf32, #tpu.memory_space<vmem>> -> memref<4096xf32, #tpu.memory_space<vmem>>
    %dma_wait3A_154 = arith.constant 12288 : i32
    %dma_wait3A_155 = tpu.memref_slice %arg4[%add3A_28, %dma_wait3A_154] : memref<64x16384xf32, #tpu.memory_space<hbm>> -> memref<1x4096xf32, #tpu.memory_space<hbm>>
    %dma_wait3A_156 = tpu.memref_squeeze %dma_wait3A_155 : memref<1x4096xf32, #tpu.memory_space<hbm>> -> memref<4096xf32, #tpu.memory_space<hbm>>
    %dma_wait3A_157 = arith.constant 0 : i32
    %dma_wait3A_158 = tpu.memref_slice %arg8[%dma_wait3A_150, %dma_wait3A_157] : memref<2x4096xf32, #tpu.memory_space<vmem>> -> memref<1x4096xf32, #tpu.memory_space<vmem>>
    %dma_wait3A_159 = tpu.memref_squeeze %dma_wait3A_158 : memref<1x4096xf32, #tpu.memory_space<vmem>> -> memref<4096xf32, #tpu.memory_space<vmem>>
    %dma_wait3A_160 = arith.constant 12288 : i32
    %dma_wait3A_161 = tpu.memref_slice %arg4[%add3A_28, %dma_wait3A_160] : memref<64x16384xf32, #tpu.memory_space<hbm>> -> memref<1x4096xf32, #tpu.memory_space<hbm>>
    %dma_wait3A_162 = tpu.memref_squeeze %dma_wait3A_161 : memref<1x4096xf32, #tpu.memory_space<hbm>> -> memref<4096xf32, #tpu.memory_space<hbm>>
    tpu.wait_dma2 semaphore(%arg13 : memref<!tpu.dma_semaphore, #tpu.memory_space<semaphore_mem>>) src(%dma_wait3A_162 : memref<4096xf32, #tpu.memory_space<hbm>>) dst(%dma_wait3A_159 : memref<4096xf32, #tpu.memory_space<vmem>>)
    %scan3A_163 = arith.constant 0 : i32
    %scan3A_164 = arith.constant 0 : i32
    %scan3A_165 = arith.constant 256 : i32
    %scan3A_166 = arith.addi %scan3A_164, %scan3A_165 : i32
    %scan3A_167 = arith.constant 8 : i32
    scf.for %scan3A_338 = %scan3A_164 to %scan3A_166 step %scan3A_167  : i32 {
      %mul3A_339 = arith.constant 16 : i32
      %mul3A_340 = arith.muli %scan3A_338, %mul3A_339 : i32
      %add3A_341 = arith.constant 12288 : i32
      %add3A_342 = arith.addi %add3A_341, %mul3A_340 : i32
      %get3A = arith.index_cast %add3A_342 : i32 to index
      %get3A_343 = tpu.vector_load %arg7[%get3A] {strides = array<i32>} : memref<16384xi32, #tpu.memory_space<vmem>>, vector<16xi32>,
      %mul3A_344 = arith.constant 16 : i32
      %mul3A_345 = arith.muli %scan3A_338, %mul3A_344 : i32
      %get3A_346 = arith.constant 1 : i32
      %get3A_347 = arith.index_cast %get3A_346 : i32 to index
      %get3A_348 = arith.index_cast %mul3A_345 : i32 to index
      %get3A_349 = tpu.vector_load %arg8[%get3A_347, %get3A_348] {strides = array<i32>} : memref<2x4096xf32, #tpu.memory_space<vmem>>, vector<16xf32>,
      tpu.vector_store_idx %arg6[%get3A_343], %get3A_349 {add = true} : memref<100000xf32, #tpu.memory_space<vmem>>[vector<16xi32>], vector<16xf32>,
      %scan3A_350 = arith.constant 1 : i32
      %scan3A_351 = arith.addi %scan3A_338, %scan3A_350 : i32
      %mul3A_352 = arith.constant 16 : i32
      %mul3A_353 = arith.muli %scan3A_351, %mul3A_352 : i32
      %add3A_354 = arith.constant 12288 : i32
      %add3A_355 = arith.addi %add3A_354, %mul3A_353 : i32
      %get3A_356 = arith.index_cast %add3A_355 : i32 to index
      %get3A_357 = tpu.vector_load %arg7[%get3A_356] {strides = array<i32>} : memref<16384xi32, #tpu.memory_space<vmem>>, vector<16xi32>,
      %mul3A_358 = arith.constant 16 : i32
      %mul3A_359 = arith.muli %scan3A_351, %mul3A_358 : i32
      %get3A_360 = arith.constant 1 : i32
      %get3A_361 = arith.index_cast %get3A_360 : i32 to index
      %get3A_362 = arith.index_cast %mul3A_359 : i32 to index
      %get3A_363 = tpu.vector_load %arg8[%get3A_361, %get3A_362] {strides = array<i32>} : memref<2x4096xf32, #tpu.memory_space<vmem>>, vector<16xf32>,
      tpu.vector_store_idx %arg6[%get3A_357], %get3A_363 {add = true} : memref<100000xf32, #tpu.memory_space<vmem>>[vector<16xi32>], vector<16xf32>,
      %scan3A_364 = arith.constant 2 : i32
      %scan3A_365 = arith.addi %scan3A_338, %scan3A_364 : i32
      %mul3A_366 = arith.constant 16 : i32
      %mul3A_367 = arith.muli %scan3A_365, %mul3A_366 : i32
      %add3A_368 = arith.constant 12288 : i32
      %add3A_369 = arith.addi %add3A_368, %mul3A_367 : i32
      %get3A_370 = arith.index_cast %add3A_369 : i32 to index
      %get3A_371 = tpu.vector_load %arg7[%get3A_370] {strides = array<i32>} : memref<16384xi32, #tpu.memory_space<vmem>>, vector<16xi32>,
      %mul3A_372 = arith.constant 16 : i32
      %mul3A_373 = arith.muli %scan3A_365, %mul3A_372 : i32
      %get3A_374 = arith.constant 1 : i32
      %get3A_375 = arith.index_cast %get3A_374 : i32 to index
      %get3A_376 = arith.index_cast %mul3A_373 : i32 to index
      %get3A_377 = tpu.vector_load %arg8[%get3A_375, %get3A_376] {strides = array<i32>} : memref<2x4096xf32, #tpu.memory_space<vmem>>, vector<16xf32>,
      tpu.vector_store_idx %arg6[%get3A_371], %get3A_377 {add = true} : memref<100000xf32, #tpu.memory_space<vmem>>[vector<16xi32>], vector<16xf32>,
      %scan3A_378 = arith.constant 3 : i32
      %scan3A_379 = arith.addi %scan3A_338, %scan3A_378 : i32
      %mul3A_380 = arith.constant 16 : i32
      %mul3A_381 = arith.muli %scan3A_379, %mul3A_380 : i32
      %add3A_382 = arith.constant 12288 : i32
      %add3A_383 = arith.addi %add3A_382, %mul3A_381 : i32
      %get3A_384 = arith.index_cast %add3A_383 : i32 to index
      %get3A_385 = tpu.vector_load %arg7[%get3A_384] {strides = array<i32>} : memref<16384xi32, #tpu.memory_space<vmem>>, vector<16xi32>,
      %mul3A_386 = arith.constant 16 : i32
      %mul3A_387 = arith.muli %scan3A_379, %mul3A_386 : i32
      %get3A_388 = arith.constant 1 : i32
      %get3A_389 = arith.index_cast %get3A_388 : i32 to index
      %get3A_390 = arith.index_cast %mul3A_387 : i32 to index
      %get3A_391 = tpu.vector_load %arg8[%get3A_389, %get3A_390] {strides = array<i32>} : memref<2x4096xf32, #tpu.memory_space<vmem>>, vector<16xf32>,
      tpu.vector_store_idx %arg6[%get3A_385], %get3A_391 {add = true} : memref<100000xf32, #tpu.memory_space<vmem>>[vector<16xi32>], vector<16xf32>,
      %scan3A_392 = arith.constant 4 : i32
      %scan3A_393 = arith.addi %scan3A_338, %scan3A_392 : i32
      %mul3A_394 = arith.constant 16 : i32
      %mul3A_395 = arith.muli %scan3A_393, %mul3A_394 : i32
      %add3A_396 = arith.constant 12288 : i32
      %add3A_397 = arith.addi %add3A_396, %mul3A_395 : i32
      %get3A_398 = arith.index_cast %add3A_397 : i32 to index
      %get3A_399 = tpu.vector_load %arg7[%get3A_398] {strides = array<i32>} : memref<16384xi32, #tpu.memory_space<vmem>>, vector<16xi32>,
      %mul3A_400 = arith.constant 16 : i32
      %mul3A_401 = arith.muli %scan3A_393, %mul3A_400 : i32
      %get3A_402 = arith.constant 1 : i32
      %get3A_403 = arith.index_cast %get3A_402 : i32 to index
      %get3A_404 = arith.index_cast %mul3A_401 : i32 to index
      %get3A_405 = tpu.vector_load %arg8[%get3A_403, %get3A_404] {strides = array<i32>} : memref<2x4096xf32, #tpu.memory_space<vmem>>, vector<16xf32>,
      tpu.vector_store_idx %arg6[%get3A_399], %get3A_405 {add = true} : memref<100000xf32, #tpu.memory_space<vmem>>[vector<16xi32>], vector<16xf32>,
      %scan3A_406 = arith.constant 5 : i32
      %scan3A_407 = arith.addi %scan3A_338, %scan3A_406 : i32
      %mul3A_408 = arith.constant 16 : i32
      %mul3A_409 = arith.muli %scan3A_407, %mul3A_408 : i32
      %add3A_410 = arith.constant 12288 : i32
      %add3A_411 = arith.addi %add3A_410, %mul3A_409 : i32
      %get3A_412 = arith.index_cast %add3A_411 : i32 to index
      %get3A_413 = tpu.vector_load %arg7[%get3A_412] {strides = array<i32>} : memref<16384xi32, #tpu.memory_space<vmem>>, vector<16xi32>,
      %mul3A_414 = arith.constant 16 : i32
      %mul3A_415 = arith.muli %scan3A_407, %mul3A_414 : i32
      %get3A_416 = arith.constant 1 : i32
      %get3A_417 = arith.index_cast %get3A_416 : i32 to index
      %get3A_418 = arith.index_cast %mul3A_415 : i32 to index
      %get3A_419 = tpu.vector_load %arg8[%get3A_417, %get3A_418] {strides = array<i32>} : memref<2x4096xf32, #tpu.memory_space<vmem>>, vector<16xf32>,
      tpu.vector_store_idx %arg6[%get3A_413], %get3A_419 {add = true} : memref<100000xf32, #tpu.memory_space<vmem>>[vector<16xi32>], vector<16xf32>,
      %scan3A_420 = arith.constant 6 : i32
      %scan3A_421 = arith.addi %scan3A_338, %scan3A_420 : i32
      %mul3A_422 = arith.constant 16 : i32
      %mul3A_423 = arith.muli %scan3A_421, %mul3A_422 : i32
      %add3A_424 = arith.constant 12288 : i32
      %add3A_425 = arith.addi %add3A_424, %mul3A_423 : i32
      %get3A_426 = arith.index_cast %add3A_425 : i32 to index
      %get3A_427 = tpu.vector_load %arg7[%get3A_426] {strides = array<i32>} : memref<16384xi32, #tpu.memory_space<vmem>>, vector<16xi32>,
      %mul3A_428 = arith.constant 16 : i32
      %mul3A_429 = arith.muli %scan3A_421, %mul3A_428 : i32
      %get3A_430 = arith.constant 1 : i32
      %get3A_431 = arith.index_cast %get3A_430 : i32 to index
      %get3A_432 = arith.index_cast %mul3A_429 : i32 to index
      %get3A_433 = tpu.vector_load %arg8[%get3A_431, %get3A_432] {strides = array<i32>} : memref<2x4096xf32, #tpu.memory_space<vmem>>, vector<16xf32>,
      tpu.vector_store_idx %arg6[%get3A_427], %get3A_433 {add = true} : memref<100000xf32, #tpu.memory_space<vmem>>[vector<16xi32>], vector<16xf32>,
      %scan3A_434 = arith.constant 7 : i32
      %scan3A_435 = arith.addi %scan3A_338, %scan3A_434 : i32
      %mul3A_436 = arith.constant 16 : i32
      %mul3A_437 = arith.muli %scan3A_435, %mul3A_436 : i32
      %add3A_438 = arith.constant 12288 : i32
      %add3A_439 = arith.addi %add3A_438, %mul3A_437 : i32
      %get3A_440 = arith.index_cast %add3A_439 : i32 to index
      %get3A_441 = tpu.vector_load %arg7[%get3A_440] {strides = array<i32>} : memref<16384xi32, #tpu.memory_space<vmem>>, vector<16xi32>,
      %mul3A_442 = arith.constant 16 : i32
      %mul3A_443 = arith.muli %scan3A_435, %mul3A_442 : i32
      %get3A_444 = arith.constant 1 : i32
      %get3A_445 = arith.index_cast %get3A_444 : i32 to index
      %get3A_446 = arith.index_cast %mul3A_443 : i32 to index
      %get3A_447 = tpu.vector_load %arg8[%get3A_445, %get3A_446] {strides = array<i32>} : memref<2x4096xf32, #tpu.memory_space<vmem>>, vector<16xf32>,
      tpu.vector_store_idx %arg6[%get3A_441], %get3A_447 {add = true} : memref<100000xf32, #tpu.memory_space<vmem>>[vector<16xi32>], vector<16xf32>,
    }
    %scan3A_168 = arith.constant 256 : i32
    %dma_start3A_169 = arith.constant 0 : i32
    %dma_start3A_170 = tpu.memref_slice %arg5[%add3A_28, %dma_start3A_169] : memref<64x100000xf32, #tpu.memory_space<hbm>> -> memref<1x100000xf32, #tpu.memory_space<hbm>>
    %dma_start3A_171 = tpu.memref_squeeze %dma_start3A_170 : memref<1x100000xf32, #tpu.memory_space<hbm>> -> memref<100000xf32, #tpu.memory_space<hbm>>
    %dma_start3A_172 = arith.constant 0 : i32
    %dma_start3A_173 = tpu.memref_slice %arg5[%add3A_28, %dma_start3A_172] : memref<64x100000xf32, #tpu.memory_space<hbm>> -> memref<1x100000xf32, #tpu.memory_space<hbm>>
    %dma_start3A_174 = tpu.memref_squeeze %dma_start3A_173 : memref<1x100000xf32, #tpu.memory_space<hbm>> -> memref<100000xf32, #tpu.memory_space<hbm>>
    tpu.enqueue_dma source(%arg6 : memref<100000xf32, #tpu.memory_space<vmem>>) target(%dma_start3A_174 : memref<100000xf32, #tpu.memory_space<hbm>>) target_semaphore(%arg10 : memref<!tpu.dma_semaphore, #tpu.memory_space<semaphore_mem>>)
    %add3A_175 = arith.constant 32 : i32
    %add3A_176 = arith.addi %add3A_28, %add3A_175 : i32
    %dma_start3A_177 = arith.constant 0 : i32
    %dma_start3A_178 = tpu.memref_slice %arg3[%add3A_176, %dma_start3A_177] : memref<64x16384xi32, #tpu.memory_space<hbm>> -> memref<1x16384xi32, #tpu.memory_space<hbm>>
    %dma_start3A_179 = tpu.memref_squeeze %dma_start3A_178 : memref<1x16384xi32, #tpu.memory_space<hbm>> -> memref<16384xi32, #tpu.memory_space<hbm>>
    %dma_start3A_180 = arith.constant 0 : i32
    %dma_start3A_181 = tpu.memref_slice %arg3[%add3A_176, %dma_start3A_180] : memref<64x16384xi32, #tpu.memory_space<hbm>> -> memref<1x16384xi32, #tpu.memory_space<hbm>>
    %dma_start3A_182 = tpu.memref_squeeze %dma_start3A_181 : memref<1x16384xi32, #tpu.memory_space<hbm>> -> memref<16384xi32, #tpu.memory_space<hbm>>
    tpu.enqueue_dma source(%dma_start3A_182 : memref<16384xi32, #tpu.memory_space<hbm>>) target(%arg7 : memref<16384xi32, #tpu.memory_space<vmem>>) target_semaphore(%arg11 : memref<!tpu.dma_semaphore, #tpu.memory_space<semaphore_mem>>)
    %dma_wait3A_183 = arith.constant 0 : i32
    %dma_wait3A_184 = tpu.memref_slice %arg5[%add3A_28, %dma_wait3A_183] : memref<64x100000xf32, #tpu.memory_space<hbm>> -> memref<1x100000xf32, #tpu.memory_space<hbm>>
    %dma_wait3A_185 = tpu.memref_squeeze %dma_wait3A_184 : memref<1x100000xf32, #tpu.memory_space<hbm>> -> memref<100000xf32, #tpu.memory_space<hbm>>
    %dma_wait3A_186 = arith.constant 0 : i32
    %dma_wait3A_187 = tpu.memref_slice %arg5[%add3A_28, %dma_wait3A_186] : memref<64x100000xf32, #tpu.memory_space<hbm>> -> memref<1x100000xf32, #tpu.memory_space<hbm>>
    %dma_wait3A_188 = tpu.memref_squeeze %dma_wait3A_187 : memref<1x100000xf32, #tpu.memory_space<hbm>> -> memref<100000xf32, #tpu.memory_space<hbm>>
    tpu.wait_dma2 semaphore(%arg10 : memref<!tpu.dma_semaphore, #tpu.memory_space<semaphore_mem>>) src(%arg6 : memref<100000xf32, #tpu.memory_space<vmem>>) dst(%dma_wait3A_188 : memref<100000xf32, #tpu.memory_space<hbm>>)
    %add3A_189 = arith.constant 32 : i32
    %add3A_190 = arith.addi %add3A_28, %add3A_189 : i32
    %dma_start3A_191 = arith.constant 0 : i32
    %dma_start3A_192 = tpu.memref_slice %arg2[%add3A_190, %dma_start3A_191] : memref<64x100000xf32, #tpu.memory_space<hbm>> -> memref<1x100000xf32, #tpu.memory_space<hbm>>
    %dma_start3A_193 = tpu.memref_squeeze %dma_start3A_192 : memref<1x100000xf32, #tpu.memory_space<hbm>> -> memref<100000xf32, #tpu.memory_space<hbm>>
    %dma_start3A_194 = arith.constant 0 : i32
    %dma_start3A_195 = tpu.memref_slice %arg2[%add3A_190, %dma_start3A_194] : memref<64x100000xf32, #tpu.memory_space<hbm>> -> memref<1x100000xf32, #tpu.memory_space<hbm>>
    %dma_start3A_196 = tpu.memref_squeeze %dma_start3A_195 : memref<1x100000xf32, #tpu.memory_space<hbm>> -> memref<100000xf32, #tpu.memory_space<hbm>>
    tpu.enqueue_dma source(%dma_start3A_196 : memref<100000xf32, #tpu.memory_space<hbm>>) target(%arg6 : memref<100000xf32, #tpu.memory_space<vmem>>) target_semaphore(%arg9 : memref<!tpu.dma_semaphore, #tpu.memory_space<semaphore_mem>>)
    %add3A_197 = arith.constant 32 : i32
    %add3A_198 = arith.addi %add3A_197, %add3A : i32
    %dma_wait3A_199 = arith.constant 0 : i32
    %dma_wait3A_200 = tpu.memref_slice %arg2[%add3A_190, %dma_wait3A_199] : memref<64x100000xf32, #tpu.memory_space<hbm>> -> memref<1x100000xf32, #tpu.memory_space<hbm>>
    %dma_wait3A_201 = tpu.memref_squeeze %dma_wait3A_200 : memref<1x100000xf32, #tpu.memory_space<hbm>> -> memref<100000xf32, #tpu.memory_space<hbm>>
    %dma_wait3A_202 = arith.constant 0 : i32
    %dma_wait3A_203 = tpu.memref_slice %arg2[%add3A_190, %dma_wait3A_202] : memref<64x100000xf32, #tpu.memory_space<hbm>> -> memref<1x100000xf32, #tpu.memory_space<hbm>>
    %dma_wait3A_204 = tpu.memref_squeeze %dma_wait3A_203 : memref<1x100000xf32, #tpu.memory_space<hbm>> -> memref<100000xf32, #tpu.memory_space<hbm>>
    tpu.wait_dma2 semaphore(%arg9 : memref<!tpu.dma_semaphore, #tpu.memory_space<semaphore_mem>>) src(%dma_wait3A_204 : memref<100000xf32, #tpu.memory_space<hbm>>) dst(%arg6 : memref<100000xf32, #tpu.memory_space<vmem>>)
    %dma_wait3A_205 = arith.constant 0 : i32
    %dma_wait3A_206 = tpu.memref_slice %arg3[%add3A_176, %dma_wait3A_205] : memref<64x16384xi32, #tpu.memory_space<hbm>> -> memref<1x16384xi32, #tpu.memory_space<hbm>>
    %dma_wait3A_207 = tpu.memref_squeeze %dma_wait3A_206 : memref<1x16384xi32, #tpu.memory_space<hbm>> -> memref<16384xi32, #tpu.memory_space<hbm>>
    %dma_wait3A_208 = arith.constant 0 : i32
    %dma_wait3A_209 = tpu.memref_slice %arg3[%add3A_176, %dma_wait3A_208] : memref<64x16384xi32, #tpu.memory_space<hbm>> -> memref<1x16384xi32, #tpu.memory_space<hbm>>
    %dma_wait3A_210 = tpu.memref_squeeze %dma_wait3A_209 : memref<1x16384xi32, #tpu.memory_space<hbm>> -> memref<16384xi32, #tpu.memory_space<hbm>>
    tpu.wait_dma2 semaphore(%arg11 : memref<!tpu.dma_semaphore, #tpu.memory_space<semaphore_mem>>) src(%dma_wait3A_210 : memref<16384xi32, #tpu.memory_space<hbm>>) dst(%arg7 : memref<16384xi32, #tpu.memory_space<vmem>>)
    %dma_start3A_211 = arith.constant 1 : i32
    %dma_start3A_212 = arith.constant 0 : i32
    %dma_start3A_213 = tpu.memref_slice %arg8[%dma_start3A_211, %dma_start3A_212] : memref<2x4096xf32, #tpu.memory_space<vmem>> -> memref<1x4096xf32, #tpu.memory_space<vmem>>
    %dma_start3A_214 = tpu.memref_squeeze %dma_start3A_213 : memref<1x4096xf32, #tpu.memory_space<vmem>> -> memref<4096xf32, #tpu.memory_space<vmem>>
    %dma_start3A_215 = arith.constant 4096 : i32
    %dma_start3A_216 = tpu.memref_slice %arg4[%add3A_198, %dma_start3A_215] : memref<64x16384xf32, #tpu.memory_space<hbm>> -> memref<1x4096xf32, #tpu.memory_space<hbm>>
    %dma_start3A_217 = tpu.memref_squeeze %dma_start3A_216 : memref<1x4096xf32, #tpu.memory_space<hbm>> -> memref<4096xf32, #tpu.memory_space<hbm>>
    %dma_start3A_218 = arith.constant 0 : i32
    %dma_start3A_219 = tpu.memref_slice %arg8[%dma_start3A_211, %dma_start3A_218] : memref<2x4096xf32, #tpu.memory_space<vmem>> -> memref<1x4096xf32, #tpu.memory_space<vmem>>
    %dma_start3A_220 = tpu.memref_squeeze %dma_start3A_219 : memref<1x4096xf32, #tpu.memory_space<vmem>> -> memref<4096xf32, #tpu.memory_space<vmem>>
    %dma_start3A_221 = arith.constant 4096 : i32
    %dma_start3A_222 = tpu.memref_slice %arg4[%add3A_198, %dma_start3A_221] : memref<64x16384xf32, #tpu.memory_space<hbm>> -> memref<1x4096xf32, #tpu.memory_space<hbm>>
    %dma_start3A_223 = tpu.memref_squeeze %dma_start3A_222 : memref<1x4096xf32, #tpu.memory_space<hbm>> -> memref<4096xf32, #tpu.memory_space<hbm>>
    tpu.enqueue_dma source(%dma_start3A_223 : memref<4096xf32, #tpu.memory_space<hbm>>) target(%dma_start3A_220 : memref<4096xf32, #tpu.memory_space<vmem>>) target_semaphore(%arg13 : memref<!tpu.dma_semaphore, #tpu.memory_space<semaphore_mem>>)
    %dma_wait3A_224 = arith.constant 0 : i32
    %dma_wait3A_225 = arith.constant 0 : i32
    %dma_wait3A_226 = tpu.memref_slice %arg8[%dma_wait3A_224, %dma_wait3A_225] : memref<2x4096xf32, #tpu.memory_space<vmem>> -> memref<1x4096xf32, #tpu.memory_space<vmem>>
    %dma_wait3A_227 = tpu.memref_squeeze %dma_wait3A_226 : memref<1x4096xf32, #tpu.memory_space<vmem>> -> memref<4096xf32, #tpu.memory_space<vmem>>
    %dma_wait3A_228 = arith.constant 0 : i32
    %dma_wait3A_229 = tpu.memref_slice %arg4[%add3A_136, %dma_wait3A_228] : memref<64x16384xf32, #tpu.memory_space<hbm>> -> memref<1x4096xf32, #tpu.memory_space<hbm>>
    %dma_wait3A_230 = tpu.memref_squeeze %dma_wait3A_229 : memref<1x4096xf32, #tpu.memory_space<hbm>> -> memref<4096xf32, #tpu.memory_space<hbm>>
    %dma_wait3A_231 = arith.constant 0 : i32
    %dma_wait3A_232 = tpu.memref_slice %arg8[%dma_wait3A_224, %dma_wait3A_231] : memref<2x4096xf32, #tpu.memory_space<vmem>> -> memref<1x4096xf32, #tpu.memory_space<vmem>>
    %dma_wait3A_233 = tpu.memref_squeeze %dma_wait3A_232 : memref<1x4096xf32, #tpu.memory_space<vmem>> -> memref<4096xf32, #tpu.memory_space<vmem>>
    %dma_wait3A_234 = arith.constant 0 : i32
    %dma_wait3A_235 = tpu.memref_slice %arg4[%add3A_136, %dma_wait3A_234] : memref<64x16384xf32, #tpu.memory_space<hbm>> -> memref<1x4096xf32, #tpu.memory_space<hbm>>
    %dma_wait3A_236 = tpu.memref_squeeze %dma_wait3A_235 : memref<1x4096xf32, #tpu.memory_space<hbm>> -> memref<4096xf32, #tpu.memory_space<hbm>>
    tpu.wait_dma2 semaphore(%arg12 : memref<!tpu.dma_semaphore, #tpu.memory_space<semaphore_mem>>) src(%dma_wait3A_236 : memref<4096xf32, #tpu.memory_space<hbm>>) dst(%dma_wait3A_233 : memref<4096xf32, #tpu.memory_space<vmem>>)
    %scan3A_237 = arith.constant 0 : i32
    %scan3A_238 = arith.constant 0 : i32
    %scan3A_239 = arith.constant 256 : i32
    %scan3A_240 = arith.addi %scan3A_238, %scan3A_239 : i32
    %scan3A_241 = arith.constant 8 : i32
    scf.for %scan3A_338 = %scan3A_238 to %scan3A_240 step %scan3A_241  : i32 {
      %mul3A_339 = arith.constant 16 : i32
      %mul3A_340 = arith.muli %scan3A_338, %mul3A_339 : i32
      %add3A_341 = arith.constant 0 : i32
      %add3A_342 = arith.addi %add3A_341, %mul3A_340 : i32
      %get3A = arith.index_cast %add3A_342 : i32 to index
      %get3A_343 = tpu.vector_load %arg7[%get3A] {strides = array<i32>} : memref<16384xi32, #tpu.memory_space<vmem>>, vector<16xi32>,
      %mul3A_344 = arith.constant 16 : i32
      %mul3A_345 = arith.muli %scan3A_338, %mul3A_344 : i32
      %get3A_346 = arith.constant 0 : i32
      %get3A_347 = arith.index_cast %get3A_346 : i32 to index
      %get3A_348 = arith.index_cast %mul3A_345 : i32 to index
      %get3A_349 = tpu.vector_load %arg8[%get3A_347, %get3A_348] {strides = array<i32>} : memref<2x4096xf32, #tpu.memory_space<vmem>>, vector<16xf32>,
      tpu.vector_store_idx %arg6[%get3A_343], %get3A_349 {add = true} : memref<100000xf32, #tpu.memory_space<vmem>>[vector<16xi32>], vector<16xf32>,
      %scan3A_350 = arith.constant 1 : i32
      %scan3A_351 = arith.addi %scan3A_338, %scan3A_350 : i32
      %mul3A_352 = arith.constant 16 : i32
      %mul3A_353 = arith.muli %scan3A_351, %mul3A_352 : i32
      %add3A_354 = arith.constant 0 : i32
      %add3A_355 = arith.addi %add3A_354, %mul3A_353 : i32
      %get3A_356 = arith.index_cast %add3A_355 : i32 to index
      %get3A_357 = tpu.vector_load %arg7[%get3A_356] {strides = array<i32>} : memref<16384xi32, #tpu.memory_space<vmem>>, vector<16xi32>,
      %mul3A_358 = arith.constant 16 : i32
      %mul3A_359 = arith.muli %scan3A_351, %mul3A_358 : i32
      %get3A_360 = arith.constant 0 : i32
      %get3A_361 = arith.index_cast %get3A_360 : i32 to index
      %get3A_362 = arith.index_cast %mul3A_359 : i32 to index
      %get3A_363 = tpu.vector_load %arg8[%get3A_361, %get3A_362] {strides = array<i32>} : memref<2x4096xf32, #tpu.memory_space<vmem>>, vector<16xf32>,
      tpu.vector_store_idx %arg6[%get3A_357], %get3A_363 {add = true} : memref<100000xf32, #tpu.memory_space<vmem>>[vector<16xi32>], vector<16xf32>,
      %scan3A_364 = arith.constant 2 : i32
      %scan3A_365 = arith.addi %scan3A_338, %scan3A_364 : i32
      %mul3A_366 = arith.constant 16 : i32
      %mul3A_367 = arith.muli %scan3A_365, %mul3A_366 : i32
      %add3A_368 = arith.constant 0 : i32
      %add3A_369 = arith.addi %add3A_368, %mul3A_367 : i32
      %get3A_370 = arith.index_cast %add3A_369 : i32 to index
      %get3A_371 = tpu.vector_load %arg7[%get3A_370] {strides = array<i32>} : memref<16384xi32, #tpu.memory_space<vmem>>, vector<16xi32>,
      %mul3A_372 = arith.constant 16 : i32
      %mul3A_373 = arith.muli %scan3A_365, %mul3A_372 : i32
      %get3A_374 = arith.constant 0 : i32
      %get3A_375 = arith.index_cast %get3A_374 : i32 to index
      %get3A_376 = arith.index_cast %mul3A_373 : i32 to index
      %get3A_377 = tpu.vector_load %arg8[%get3A_375, %get3A_376] {strides = array<i32>} : memref<2x4096xf32, #tpu.memory_space<vmem>>, vector<16xf32>,
      tpu.vector_store_idx %arg6[%get3A_371], %get3A_377 {add = true} : memref<100000xf32, #tpu.memory_space<vmem>>[vector<16xi32>], vector<16xf32>,
      %scan3A_378 = arith.constant 3 : i32
      %scan3A_379 = arith.addi %scan3A_338, %scan3A_378 : i32
      %mul3A_380 = arith.constant 16 : i32
      %mul3A_381 = arith.muli %scan3A_379, %mul3A_380 : i32
      %add3A_382 = arith.constant 0 : i32
      %add3A_383 = arith.addi %add3A_382, %mul3A_381 : i32
      %get3A_384 = arith.index_cast %add3A_383 : i32 to index
      %get3A_385 = tpu.vector_load %arg7[%get3A_384] {strides = array<i32>} : memref<16384xi32, #tpu.memory_space<vmem>>, vector<16xi32>,
      %mul3A_386 = arith.constant 16 : i32
      %mul3A_387 = arith.muli %scan3A_379, %mul3A_386 : i32
      %get3A_388 = arith.constant 0 : i32
      %get3A_389 = arith.index_cast %get3A_388 : i32 to index
      %get3A_390 = arith.index_cast %mul3A_387 : i32 to index
      %get3A_391 = tpu.vector_load %arg8[%get3A_389, %get3A_390] {strides = array<i32>} : memref<2x4096xf32, #tpu.memory_space<vmem>>, vector<16xf32>,
      tpu.vector_store_idx %arg6[%get3A_385], %get3A_391 {add = true} : memref<100000xf32, #tpu.memory_space<vmem>>[vector<16xi32>], vector<16xf32>,
      %scan3A_392 = arith.constant 4 : i32
      %scan3A_393 = arith.addi %scan3A_338, %scan3A_392 : i32
      %mul3A_394 = arith.constant 16 : i32
      %mul3A_395 = arith.muli %scan3A_393, %mul3A_394 : i32
      %add3A_396 = arith.constant 0 : i32
      %add3A_397 = arith.addi %add3A_396, %mul3A_395 : i32
      %get3A_398 = arith.index_cast %add3A_397 : i32 to index
      %get3A_399 = tpu.vector_load %arg7[%get3A_398] {strides = array<i32>} : memref<16384xi32, #tpu.memory_space<vmem>>, vector<16xi32>,
      %mul3A_400 = arith.constant 16 : i32
      %mul3A_401 = arith.muli %scan3A_393, %mul3A_400 : i32
      %get3A_402 = arith.constant 0 : i32
      %get3A_403 = arith.index_cast %get3A_402 : i32 to index
      %get3A_404 = arith.index_cast %mul3A_401 : i32 to index
      %get3A_405 = tpu.vector_load %arg8[%get3A_403, %get3A_404] {strides = array<i32>} : memref<2x4096xf32, #tpu.memory_space<vmem>>, vector<16xf32>,
      tpu.vector_store_idx %arg6[%get3A_399], %get3A_405 {add = true} : memref<100000xf32, #tpu.memory_space<vmem>>[vector<16xi32>], vector<16xf32>,
      %scan3A_406 = arith.constant 5 : i32
      %scan3A_407 = arith.addi %scan3A_338, %scan3A_406 : i32
      %mul3A_408 = arith.constant 16 : i32
      %mul3A_409 = arith.muli %scan3A_407, %mul3A_408 : i32
      %add3A_410 = arith.constant 0 : i32
      %add3A_411 = arith.addi %add3A_410, %mul3A_409 : i32
      %get3A_412 = arith.index_cast %add3A_411 : i32 to index
      %get3A_413 = tpu.vector_load %arg7[%get3A_412] {strides = array<i32>} : memref<16384xi32, #tpu.memory_space<vmem>>, vector<16xi32>,
      %mul3A_414 = arith.constant 16 : i32
      %mul3A_415 = arith.muli %scan3A_407, %mul3A_414 : i32
      %get3A_416 = arith.constant 0 : i32
      %get3A_417 = arith.index_cast %get3A_416 : i32 to index
      %get3A_418 = arith.index_cast %mul3A_415 : i32 to index
      %get3A_419 = tpu.vector_load %arg8[%get3A_417, %get3A_418] {strides = array<i32>} : memref<2x4096xf32, #tpu.memory_space<vmem>>, vector<16xf32>,
      tpu.vector_store_idx %arg6[%get3A_413], %get3A_419 {add = true} : memref<100000xf32, #tpu.memory_space<vmem>>[vector<16xi32>], vector<16xf32>,
      %scan3A_420 = arith.constant 6 : i32
      %scan3A_421 = arith.addi %scan3A_338, %scan3A_420 : i32
      %mul3A_422 = arith.constant 16 : i32
      %mul3A_423 = arith.muli %scan3A_421, %mul3A_422 : i32
      %add3A_424 = arith.constant 0 : i32
      %add3A_425 = arith.addi %add3A_424, %mul3A_423 : i32
      %get3A_426 = arith.index_cast %add3A_425 : i32 to index
      %get3A_427 = tpu.vector_load %arg7[%get3A_426] {strides = array<i32>} : memref<16384xi32, #tpu.memory_space<vmem>>, vector<16xi32>,
      %mul3A_428 = arith.constant 16 : i32
      %mul3A_429 = arith.muli %scan3A_421, %mul3A_428 : i32
      %get3A_430 = arith.constant 0 : i32
      %get3A_431 = arith.index_cast %get3A_430 : i32 to index
      %get3A_432 = arith.index_cast %mul3A_429 : i32 to index
      %get3A_433 = tpu.vector_load %arg8[%get3A_431, %get3A_432] {strides = array<i32>} : memref<2x4096xf32, #tpu.memory_space<vmem>>, vector<16xf32>,
      tpu.vector_store_idx %arg6[%get3A_427], %get3A_433 {add = true} : memref<100000xf32, #tpu.memory_space<vmem>>[vector<16xi32>], vector<16xf32>,
      %scan3A_434 = arith.constant 7 : i32
      %scan3A_435 = arith.addi %scan3A_338, %scan3A_434 : i32
      %mul3A_436 = arith.constant 16 : i32
      %mul3A_437 = arith.muli %scan3A_435, %mul3A_436 : i32
      %add3A_438 = arith.constant 0 : i32
      %add3A_439 = arith.addi %add3A_438, %mul3A_437 : i32
      %get3A_440 = arith.index_cast %add3A_439 : i32 to index
      %get3A_441 = tpu.vector_load %arg7[%get3A_440] {strides = array<i32>} : memref<16384xi32, #tpu.memory_space<vmem>>, vector<16xi32>,
      %mul3A_442 = arith.constant 16 : i32
      %mul3A_443 = arith.muli %scan3A_435, %mul3A_442 : i32
      %get3A_444 = arith.constant 0 : i32
      %get3A_445 = arith.index_cast %get3A_444 : i32 to index
      %get3A_446 = arith.index_cast %mul3A_443 : i32 to index
      %get3A_447 = tpu.vector_load %arg8[%get3A_445, %get3A_446] {strides = array<i32>} : memref<2x4096xf32, #tpu.memory_space<vmem>>, vector<16xf32>,
      tpu.vector_store_idx %arg6[%get3A_441], %get3A_447 {add = true} : memref<100000xf32, #tpu.memory_space<vmem>>[vector<16xi32>], vector<16xf32>,
    }
    %scan3A_242 = arith.constant 256 : i32
    %dma_start3A_243 = arith.constant 0 : i32
    %dma_start3A_244 = arith.constant 0 : i32
    %dma_start3A_245 = tpu.memref_slice %arg8[%dma_start3A_243, %dma_start3A_244] : memref<2x4096xf32, #tpu.memory_space<vmem>> -> memref<1x4096xf32, #tpu.memory_space<vmem>>
    %dma_start3A_246 = tpu.memref_squeeze %dma_start3A_245 : memref<1x4096xf32, #tpu.memory_space<vmem>> -> memref<4096xf32, #tpu.memory_space<vmem>>
    %dma_start3A_247 = arith.constant 8192 : i32
    %dma_start3A_248 = tpu.memref_slice %arg4[%add3A_198, %dma_start3A_247] : memref<64x16384xf32, #tpu.memory_space<hbm>> -> memref<1x4096xf32, #tpu.memory_space<hbm>>
    %dma_start3A_249 = tpu.memref_squeeze %dma_start3A_248 : memref<1x4096xf32, #tpu.memory_space<hbm>> -> memref<4096xf32, #tpu.memory_space<hbm>>
    %dma_start3A_250 = arith.constant 0 : i32
    %dma_start3A_251 = tpu.memref_slice %arg8[%dma_start3A_243, %dma_start3A_250] : memref<2x4096xf32, #tpu.memory_space<vmem>> -> memref<1x4096xf32, #tpu.memory_space<vmem>>
    %dma_start3A_252 = tpu.memref_squeeze %dma_start3A_251 : memref<1x4096xf32, #tpu.memory_space<vmem>> -> memref<4096xf32, #tpu.memory_space<vmem>>
    %dma_start3A_253 = arith.constant 8192 : i32
    %dma_start3A_254 = tpu.memref_slice %arg4[%add3A_198, %dma_start3A_253] : memref<64x16384xf32, #tpu.memory_space<hbm>> -> memref<1x4096xf32, #tpu.memory_space<hbm>>
    %dma_start3A_255 = tpu.memref_squeeze %dma_start3A_254 : memref<1x4096xf32, #tpu.memory_space<hbm>> -> memref<4096xf32, #tpu.memory_space<hbm>>
    tpu.enqueue_dma source(%dma_start3A_255 : memref<4096xf32, #tpu.memory_space<hbm>>) target(%dma_start3A_252 : memref<4096xf32, #tpu.memory_space<vmem>>) target_semaphore(%arg12 : memref<!tpu.dma_semaphore, #tpu.memory_space<semaphore_mem>>)
    %dma_wait3A_256 = arith.constant 1 : i32
    %dma_wait3A_257 = arith.constant 0 : i32
    %dma_wait3A_258 = tpu.memref_slice %arg8[%dma_wait3A_256, %dma_wait3A_257] : memref<2x4096xf32, #tpu.memory_space<vmem>> -> memref<1x4096xf32, #tpu.memory_space<vmem>>
    %dma_wait3A_259 = tpu.memref_squeeze %dma_wait3A_258 : memref<1x4096xf32, #tpu.memory_space<vmem>> -> memref<4096xf32, #tpu.memory_space<vmem>>
    %dma_wait3A_260 = arith.constant 4096 : i32
    %dma_wait3A_261 = tpu.memref_slice %arg4[%add3A_198, %dma_wait3A_260] : memref<64x16384xf32, #tpu.memory_space<hbm>> -> memref<1x4096xf32, #tpu.memory_space<hbm>>
    %dma_wait3A_262 = tpu.memref_squeeze %dma_wait3A_261 : memref<1x4096xf32, #tpu.memory_space<hbm>> -> memref<4096xf32, #tpu.memory_space<hbm>>
    %dma_wait3A_263 = arith.constant 0 : i32
    %dma_wait3A_264 = tpu.memref_slice %arg8[%dma_wait3A_256, %dma_wait3A_263] : memref<2x4096xf32, #tpu.memory_space<vmem>> -> memref<1x4096xf32, #tpu.memory_space<vmem>>
    %dma_wait3A_265 = tpu.memref_squeeze %dma_wait3A_264 : memref<1x4096xf32, #tpu.memory_space<vmem>> -> memref<4096xf32, #tpu.memory_space<vmem>>
    %dma_wait3A_266 = arith.constant 4096 : i32
    %dma_wait3A_267 = tpu.memref_slice %arg4[%add3A_198, %dma_wait3A_266] : memref<64x16384xf32, #tpu.memory_space<hbm>> -> memref<1x4096xf32, #tpu.memory_space<hbm>>
    %dma_wait3A_268 = tpu.memref_squeeze %dma_wait3A_267 : memref<1x4096xf32, #tpu.memory_space<hbm>> -> memref<4096xf32, #tpu.memory_space<hbm>>
    tpu.wait_dma2 semaphore(%arg13 : memref<!tpu.dma_semaphore, #tpu.memory_space<semaphore_mem>>) src(%dma_wait3A_268 : memref<4096xf32, #tpu.memory_space<hbm>>) dst(%dma_wait3A_265 : memref<4096xf32, #tpu.memory_space<vmem>>)
    %scan3A_269 = arith.constant 0 : i32
    %scan3A_270 = arith.constant 0 : i32
    %scan3A_271 = arith.constant 256 : i32
    %scan3A_272 = arith.addi %scan3A_270, %scan3A_271 : i32
    %scan3A_273 = arith.constant 8 : i32
    scf.for %scan3A_338 = %scan3A_270 to %scan3A_272 step %scan3A_273  : i32 {
      %mul3A_339 = arith.constant 16 : i32
      %mul3A_340 = arith.muli %scan3A_338, %mul3A_339 : i32
      %add3A_341 = arith.constant 4096 : i32
      %add3A_342 = arith.addi %add3A_341, %mul3A_340 : i32
      %get3A = arith.index_cast %add3A_342 : i32 to index
      %get3A_343 = tpu.vector_load %arg7[%get3A] {strides = array<i32>} : memref<16384xi32, #tpu.memory_space<vmem>>, vector<16xi32>,
      %mul3A_344 = arith.constant 16 : i32
      %mul3A_345 = arith.muli %scan3A_338, %mul3A_344 : i32
      %get3A_346 = arith.constant 1 : i32
      %get3A_347 = arith.index_cast %get3A_346 : i32 to index
      %get3A_348 = arith.index_cast %mul3A_345 : i32 to index
      %get3A_349 = tpu.vector_load %arg8[%get3A_347, %get3A_348] {strides = array<i32>} : memref<2x4096xf32, #tpu.memory_space<vmem>>, vector<16xf32>,
      tpu.vector_store_idx %arg6[%get3A_343], %get3A_349 {add = true} : memref<100000xf32, #tpu.memory_space<vmem>>[vector<16xi32>], vector<16xf32>,
      %scan3A_350 = arith.constant 1 : i32
      %scan3A_351 = arith.addi %scan3A_338, %scan3A_350 : i32
      %mul3A_352 = arith.constant 16 : i32
      %mul3A_353 = arith.muli %scan3A_351, %mul3A_352 : i32
      %add3A_354 = arith.constant 4096 : i32
      %add3A_355 = arith.addi %add3A_354, %mul3A_353 : i32
      %get3A_356 = arith.index_cast %add3A_355 : i32 to index
      %get3A_357 = tpu.vector_load %arg7[%get3A_356] {strides = array<i32>} : memref<16384xi32, #tpu.memory_space<vmem>>, vector<16xi32>,
      %mul3A_358 = arith.constant 16 : i32
      %mul3A_359 = arith.muli %scan3A_351, %mul3A_358 : i32
      %get3A_360 = arith.constant 1 : i32
      %get3A_361 = arith.index_cast %get3A_360 : i32 to index
      %get3A_362 = arith.index_cast %mul3A_359 : i32 to index
      %get3A_363 = tpu.vector_load %arg8[%get3A_361, %get3A_362] {strides = array<i32>} : memref<2x4096xf32, #tpu.memory_space<vmem>>, vector<16xf32>,
      tpu.vector_store_idx %arg6[%get3A_357], %get3A_363 {add = true} : memref<100000xf32, #tpu.memory_space<vmem>>[vector<16xi32>], vector<16xf32>,
      %scan3A_364 = arith.constant 2 : i32
      %scan3A_365 = arith.addi %scan3A_338, %scan3A_364 : i32
      %mul3A_366 = arith.constant 16 : i32
      %mul3A_367 = arith.muli %scan3A_365, %mul3A_366 : i32
      %add3A_368 = arith.constant 4096 : i32
      %add3A_369 = arith.addi %add3A_368, %mul3A_367 : i32
      %get3A_370 = arith.index_cast %add3A_369 : i32 to index
      %get3A_371 = tpu.vector_load %arg7[%get3A_370] {strides = array<i32>} : memref<16384xi32, #tpu.memory_space<vmem>>, vector<16xi32>,
      %mul3A_372 = arith.constant 16 : i32
      %mul3A_373 = arith.muli %scan3A_365, %mul3A_372 : i32
      %get3A_374 = arith.constant 1 : i32
      %get3A_375 = arith.index_cast %get3A_374 : i32 to index
      %get3A_376 = arith.index_cast %mul3A_373 : i32 to index
      %get3A_377 = tpu.vector_load %arg8[%get3A_375, %get3A_376] {strides = array<i32>} : memref<2x4096xf32, #tpu.memory_space<vmem>>, vector<16xf32>,
      tpu.vector_store_idx %arg6[%get3A_371], %get3A_377 {add = true} : memref<100000xf32, #tpu.memory_space<vmem>>[vector<16xi32>], vector<16xf32>,
      %scan3A_378 = arith.constant 3 : i32
      %scan3A_379 = arith.addi %scan3A_338, %scan3A_378 : i32
      %mul3A_380 = arith.constant 16 : i32
      %mul3A_381 = arith.muli %scan3A_379, %mul3A_380 : i32
      %add3A_382 = arith.constant 4096 : i32
      %add3A_383 = arith.addi %add3A_382, %mul3A_381 : i32
      %get3A_384 = arith.index_cast %add3A_383 : i32 to index
      %get3A_385 = tpu.vector_load %arg7[%get3A_384] {strides = array<i32>} : memref<16384xi32, #tpu.memory_space<vmem>>, vector<16xi32>,
      %mul3A_386 = arith.constant 16 : i32
      %mul3A_387 = arith.muli %scan3A_379, %mul3A_386 : i32
      %get3A_388 = arith.constant 1 : i32
      %get3A_389 = arith.index_cast %get3A_388 : i32 to index
      %get3A_390 = arith.index_cast %mul3A_387 : i32 to index
      %get3A_391 = tpu.vector_load %arg8[%get3A_389, %get3A_390] {strides = array<i32>} : memref<2x4096xf32, #tpu.memory_space<vmem>>, vector<16xf32>,
      tpu.vector_store_idx %arg6[%get3A_385], %get3A_391 {add = true} : memref<100000xf32, #tpu.memory_space<vmem>>[vector<16xi32>], vector<16xf32>,
      %scan3A_392 = arith.constant 4 : i32
      %scan3A_393 = arith.addi %scan3A_338, %scan3A_392 : i32
      %mul3A_394 = arith.constant 16 : i32
      %mul3A_395 = arith.muli %scan3A_393, %mul3A_394 : i32
      %add3A_396 = arith.constant 4096 : i32
      %add3A_397 = arith.addi %add3A_396, %mul3A_395 : i32
      %get3A_398 = arith.index_cast %add3A_397 : i32 to index
      %get3A_399 = tpu.vector_load %arg7[%get3A_398] {strides = array<i32>} : memref<16384xi32, #tpu.memory_space<vmem>>, vector<16xi32>,
      %mul3A_400 = arith.constant 16 : i32
      %mul3A_401 = arith.muli %scan3A_393, %mul3A_400 : i32
      %get3A_402 = arith.constant 1 : i32
      %get3A_403 = arith.index_cast %get3A_402 : i32 to index
      %get3A_404 = arith.index_cast %mul3A_401 : i32 to index
      %get3A_405 = tpu.vector_load %arg8[%get3A_403, %get3A_404] {strides = array<i32>} : memref<2x4096xf32, #tpu.memory_space<vmem>>, vector<16xf32>,
      tpu.vector_store_idx %arg6[%get3A_399], %get3A_405 {add = true} : memref<100000xf32, #tpu.memory_space<vmem>>[vector<16xi32>], vector<16xf32>,
      %scan3A_406 = arith.constant 5 : i32
      %scan3A_407 = arith.addi %scan3A_338, %scan3A_406 : i32
      %mul3A_408 = arith.constant 16 : i32
      %mul3A_409 = arith.muli %scan3A_407, %mul3A_408 : i32
      %add3A_410 = arith.constant 4096 : i32
      %add3A_411 = arith.addi %add3A_410, %mul3A_409 : i32
      %get3A_412 = arith.index_cast %add3A_411 : i32 to index
      %get3A_413 = tpu.vector_load %arg7[%get3A_412] {strides = array<i32>} : memref<16384xi32, #tpu.memory_space<vmem>>, vector<16xi32>,
      %mul3A_414 = arith.constant 16 : i32
      %mul3A_415 = arith.muli %scan3A_407, %mul3A_414 : i32
      %get3A_416 = arith.constant 1 : i32
      %get3A_417 = arith.index_cast %get3A_416 : i32 to index
      %get3A_418 = arith.index_cast %mul3A_415 : i32 to index
      %get3A_419 = tpu.vector_load %arg8[%get3A_417, %get3A_418] {strides = array<i32>} : memref<2x4096xf32, #tpu.memory_space<vmem>>, vector<16xf32>,
      tpu.vector_store_idx %arg6[%get3A_413], %get3A_419 {add = true} : memref<100000xf32, #tpu.memory_space<vmem>>[vector<16xi32>], vector<16xf32>,
      %scan3A_420 = arith.constant 6 : i32
      %scan3A_421 = arith.addi %scan3A_338, %scan3A_420 : i32
      %mul3A_422 = arith.constant 16 : i32
      %mul3A_423 = arith.muli %scan3A_421, %mul3A_422 : i32
      %add3A_424 = arith.constant 4096 : i32
      %add3A_425 = arith.addi %add3A_424, %mul3A_423 : i32
      %get3A_426 = arith.index_cast %add3A_425 : i32 to index
      %get3A_427 = tpu.vector_load %arg7[%get3A_426] {strides = array<i32>} : memref<16384xi32, #tpu.memory_space<vmem>>, vector<16xi32>,
      %mul3A_428 = arith.constant 16 : i32
      %mul3A_429 = arith.muli %scan3A_421, %mul3A_428 : i32
      %get3A_430 = arith.constant 1 : i32
      %get3A_431 = arith.index_cast %get3A_430 : i32 to index
      %get3A_432 = arith.index_cast %mul3A_429 : i32 to index
      %get3A_433 = tpu.vector_load %arg8[%get3A_431, %get3A_432] {strides = array<i32>} : memref<2x4096xf32, #tpu.memory_space<vmem>>, vector<16xf32>,
      tpu.vector_store_idx %arg6[%get3A_427], %get3A_433 {add = true} : memref<100000xf32, #tpu.memory_space<vmem>>[vector<16xi32>], vector<16xf32>,
      %scan3A_434 = arith.constant 7 : i32
      %scan3A_435 = arith.addi %scan3A_338, %scan3A_434 : i32
      %mul3A_436 = arith.constant 16 : i32
      %mul3A_437 = arith.muli %scan3A_435, %mul3A_436 : i32
      %add3A_438 = arith.constant 4096 : i32
      %add3A_439 = arith.addi %add3A_438, %mul3A_437 : i32
      %get3A_440 = arith.index_cast %add3A_439 : i32 to index
      %get3A_441 = tpu.vector_load %arg7[%get3A_440] {strides = array<i32>} : memref<16384xi32, #tpu.memory_space<vmem>>, vector<16xi32>,
      %mul3A_442 = arith.constant 16 : i32
      %mul3A_443 = arith.muli %scan3A_435, %mul3A_442 : i32
      %get3A_444 = arith.constant 1 : i32
      %get3A_445 = arith.index_cast %get3A_444 : i32 to index
      %get3A_446 = arith.index_cast %mul3A_443 : i32 to index
      %get3A_447 = tpu.vector_load %arg8[%get3A_445, %get3A_446] {strides = array<i32>} : memref<2x4096xf32, #tpu.memory_space<vmem>>, vector<16xf32>,
      tpu.vector_store_idx %arg6[%get3A_441], %get3A_447 {add = true} : memref<100000xf32, #tpu.memory_space<vmem>>[vector<16xi32>], vector<16xf32>,
    }
    %scan3A_274 = arith.constant 256 : i32
    %dma_start3A_275 = arith.constant 1 : i32
    %dma_start3A_276 = arith.constant 0 : i32
    %dma_start3A_277 = tpu.memref_slice %arg8[%dma_start3A_275, %dma_start3A_276] : memref<2x4096xf32, #tpu.memory_space<vmem>> -> memref<1x4096xf32, #tpu.memory_space<vmem>>
    %dma_start3A_278 = tpu.memref_squeeze %dma_start3A_277 : memref<1x4096xf32, #tpu.memory_space<vmem>> -> memref<4096xf32, #tpu.memory_space<vmem>>
    %dma_start3A_279 = arith.constant 12288 : i32
    %dma_start3A_280 = tpu.memref_slice %arg4[%add3A_198, %dma_start3A_279] : memref<64x16384xf32, #tpu.memory_space<hbm>> -> memref<1x4096xf32, #tpu.memory_space<hbm>>
    %dma_start3A_281 = tpu.memref_squeeze %dma_start3A_280 : memref<1x4096xf32, #tpu.memory_space<hbm>> -> memref<4096xf32, #tpu.memory_space<hbm>>
    %dma_start3A_282 = arith.constant 0 : i32
    %dma_start3A_283 = tpu.memref_slice %arg8[%dma_start3A_275, %dma_start3A_282] : memref<2x4096xf32, #tpu.memory_space<vmem>> -> memref<1x4096xf32, #tpu.memory_space<vmem>>
    %dma_start3A_284 = tpu.memref_squeeze %dma_start3A_283 : memref<1x4096xf32, #tpu.memory_space<vmem>> -> memref<4096xf32, #tpu.memory_space<vmem>>
    %dma_start3A_285 = arith.constant 12288 : i32
    %dma_start3A_286 = tpu.memref_slice %arg4[%add3A_198, %dma_start3A_285] : memref<64x16384xf32, #tpu.memory_space<hbm>> -> memref<1x4096xf32, #tpu.memory_space<hbm>>
    %dma_start3A_287 = tpu.memref_squeeze %dma_start3A_286 : memref<1x4096xf32, #tpu.memory_space<hbm>> -> memref<4096xf32, #tpu.memory_space<hbm>>
    tpu.enqueue_dma source(%dma_start3A_287 : memref<4096xf32, #tpu.memory_space<hbm>>) target(%dma_start3A_284 : memref<4096xf32, #tpu.memory_space<vmem>>) target_semaphore(%arg13 : memref<!tpu.dma_semaphore, #tpu.memory_space<semaphore_mem>>)
    %dma_wait3A_288 = arith.constant 0 : i32
    %dma_wait3A_289 = arith.constant 0 : i32
    %dma_wait3A_290 = tpu.memref_slice %arg8[%dma_wait3A_288, %dma_wait3A_289] : memref<2x4096xf32, #tpu.memory_space<vmem>> -> memref<1x4096xf32, #tpu.memory_space<vmem>>
    %dma_wait3A_291 = tpu.memref_squeeze %dma_wait3A_290 : memref<1x4096xf32, #tpu.memory_space<vmem>> -> memref<4096xf32, #tpu.memory_space<vmem>>
    %dma_wait3A_292 = arith.constant 8192 : i32
    %dma_wait3A_293 = tpu.memref_slice %arg4[%add3A_198, %dma_wait3A_292] : memref<64x16384xf32, #tpu.memory_space<hbm>> -> memref<1x4096xf32, #tpu.memory_space<hbm>>
    %dma_wait3A_294 = tpu.memref_squeeze %dma_wait3A_293 : memref<1x4096xf32, #tpu.memory_space<hbm>> -> memref<4096xf32, #tpu.memory_space<hbm>>
    %dma_wait3A_295 = arith.constant 0 : i32
    %dma_wait3A_296 = tpu.memref_slice %arg8[%dma_wait3A_288, %dma_wait3A_295] : memref<2x4096xf32, #tpu.memory_space<vmem>> -> memref<1x4096xf32, #tpu.memory_space<vmem>>
    %dma_wait3A_297 = tpu.memref_squeeze %dma_wait3A_296 : memref<1x4096xf32, #tpu.memory_space<vmem>> -> memref<4096xf32, #tpu.memory_space<vmem>>
    %dma_wait3A_298 = arith.constant 8192 : i32
    %dma_wait3A_299 = tpu.memref_slice %arg4[%add3A_198, %dma_wait3A_298] : memref<64x16384xf32, #tpu.memory_space<hbm>> -> memref<1x4096xf32, #tpu.memory_space<hbm>>
    %dma_wait3A_300 = tpu.memref_squeeze %dma_wait3A_299 : memref<1x4096xf32, #tpu.memory_space<hbm>> -> memref<4096xf32, #tpu.memory_space<hbm>>
    tpu.wait_dma2 semaphore(%arg12 : memref<!tpu.dma_semaphore, #tpu.memory_space<semaphore_mem>>) src(%dma_wait3A_300 : memref<4096xf32, #tpu.memory_space<hbm>>) dst(%dma_wait3A_297 : memref<4096xf32, #tpu.memory_space<vmem>>)
    %scan3A_301 = arith.constant 0 : i32
    %scan3A_302 = arith.constant 0 : i32
    %scan3A_303 = arith.constant 256 : i32
    %scan3A_304 = arith.addi %scan3A_302, %scan3A_303 : i32
    %scan3A_305 = arith.constant 8 : i32
    scf.for %scan3A_338 = %scan3A_302 to %scan3A_304 step %scan3A_305  : i32 {
      %mul3A_339 = arith.constant 16 : i32
      %mul3A_340 = arith.muli %scan3A_338, %mul3A_339 : i32
      %add3A_341 = arith.constant 8192 : i32
      %add3A_342 = arith.addi %add3A_341, %mul3A_340 : i32
      %get3A = arith.index_cast %add3A_342 : i32 to index
      %get3A_343 = tpu.vector_load %arg7[%get3A] {strides = array<i32>} : memref<16384xi32, #tpu.memory_space<vmem>>, vector<16xi32>,
      %mul3A_344 = arith.constant 16 : i32
      %mul3A_345 = arith.muli %scan3A_338, %mul3A_344 : i32
      %get3A_346 = arith.constant 0 : i32
      %get3A_347 = arith.index_cast %get3A_346 : i32 to index
      %get3A_348 = arith.index_cast %mul3A_345 : i32 to index
      %get3A_349 = tpu.vector_load %arg8[%get3A_347, %get3A_348] {strides = array<i32>} : memref<2x4096xf32, #tpu.memory_space<vmem>>, vector<16xf32>,
      tpu.vector_store_idx %arg6[%get3A_343], %get3A_349 {add = true} : memref<100000xf32, #tpu.memory_space<vmem>>[vector<16xi32>], vector<16xf32>,
      %scan3A_350 = arith.constant 1 : i32
      %scan3A_351 = arith.addi %scan3A_338, %scan3A_350 : i32
      %mul3A_352 = arith.constant 16 : i32
      %mul3A_353 = arith.muli %scan3A_351, %mul3A_352 : i32
      %add3A_354 = arith.constant 8192 : i32
      %add3A_355 = arith.addi %add3A_354, %mul3A_353 : i32
      %get3A_356 = arith.index_cast %add3A_355 : i32 to index
      %get3A_357 = tpu.vector_load %arg7[%get3A_356] {strides = array<i32>} : memref<16384xi32, #tpu.memory_space<vmem>>, vector<16xi32>,
      %mul3A_358 = arith.constant 16 : i32
      %mul3A_359 = arith.muli %scan3A_351, %mul3A_358 : i32
      %get3A_360 = arith.constant 0 : i32
      %get3A_361 = arith.index_cast %get3A_360 : i32 to index
      %get3A_362 = arith.index_cast %mul3A_359 : i32 to index
      %get3A_363 = tpu.vector_load %arg8[%get3A_361, %get3A_362] {strides = array<i32>} : memref<2x4096xf32, #tpu.memory_space<vmem>>, vector<16xf32>,
      tpu.vector_store_idx %arg6[%get3A_357], %get3A_363 {add = true} : memref<100000xf32, #tpu.memory_space<vmem>>[vector<16xi32>], vector<16xf32>,
      %scan3A_364 = arith.constant 2 : i32
      %scan3A_365 = arith.addi %scan3A_338, %scan3A_364 : i32
      %mul3A_366 = arith.constant 16 : i32
      %mul3A_367 = arith.muli %scan3A_365, %mul3A_366 : i32
      %add3A_368 = arith.constant 8192 : i32
      %add3A_369 = arith.addi %add3A_368, %mul3A_367 : i32
      %get3A_370 = arith.index_cast %add3A_369 : i32 to index
      %get3A_371 = tpu.vector_load %arg7[%get3A_370] {strides = array<i32>} : memref<16384xi32, #tpu.memory_space<vmem>>, vector<16xi32>,
      %mul3A_372 = arith.constant 16 : i32
      %mul3A_373 = arith.muli %scan3A_365, %mul3A_372 : i32
      %get3A_374 = arith.constant 0 : i32
      %get3A_375 = arith.index_cast %get3A_374 : i32 to index
      %get3A_376 = arith.index_cast %mul3A_373 : i32 to index
      %get3A_377 = tpu.vector_load %arg8[%get3A_375, %get3A_376] {strides = array<i32>} : memref<2x4096xf32, #tpu.memory_space<vmem>>, vector<16xf32>,
      tpu.vector_store_idx %arg6[%get3A_371], %get3A_377 {add = true} : memref<100000xf32, #tpu.memory_space<vmem>>[vector<16xi32>], vector<16xf32>,
      %scan3A_378 = arith.constant 3 : i32
      %scan3A_379 = arith.addi %scan3A_338, %scan3A_378 : i32
      %mul3A_380 = arith.constant 16 : i32
      %mul3A_381 = arith.muli %scan3A_379, %mul3A_380 : i32
      %add3A_382 = arith.constant 8192 : i32
      %add3A_383 = arith.addi %add3A_382, %mul3A_381 : i32
      %get3A_384 = arith.index_cast %add3A_383 : i32 to index
      %get3A_385 = tpu.vector_load %arg7[%get3A_384] {strides = array<i32>} : memref<16384xi32, #tpu.memory_space<vmem>>, vector<16xi32>,
      %mul3A_386 = arith.constant 16 : i32
      %mul3A_387 = arith.muli %scan3A_379, %mul3A_386 : i32
      %get3A_388 = arith.constant 0 : i32
      %get3A_389 = arith.index_cast %get3A_388 : i32 to index
      %get3A_390 = arith.index_cast %mul3A_387 : i32 to index
      %get3A_391 = tpu.vector_load %arg8[%get3A_389, %get3A_390] {strides = array<i32>} : memref<2x4096xf32, #tpu.memory_space<vmem>>, vector<16xf32>,
      tpu.vector_store_idx %arg6[%get3A_385], %get3A_391 {add = true} : memref<100000xf32, #tpu.memory_space<vmem>>[vector<16xi32>], vector<16xf32>,
      %scan3A_392 = arith.constant 4 : i32
      %scan3A_393 = arith.addi %scan3A_338, %scan3A_392 : i32
      %mul3A_394 = arith.constant 16 : i32
      %mul3A_395 = arith.muli %scan3A_393, %mul3A_394 : i32
      %add3A_396 = arith.constant 8192 : i32
      %add3A_397 = arith.addi %add3A_396, %mul3A_395 : i32
      %get3A_398 = arith.index_cast %add3A_397 : i32 to index
      %get3A_399 = tpu.vector_load %arg7[%get3A_398] {strides = array<i32>} : memref<16384xi32, #tpu.memory_space<vmem>>, vector<16xi32>,
      %mul3A_400 = arith.constant 16 : i32
      %mul3A_401 = arith.muli %scan3A_393, %mul3A_400 : i32
      %get3A_402 = arith.constant 0 : i32
      %get3A_403 = arith.index_cast %get3A_402 : i32 to index
      %get3A_404 = arith.index_cast %mul3A_401 : i32 to index
      %get3A_405 = tpu.vector_load %arg8[%get3A_403, %get3A_404] {strides = array<i32>} : memref<2x4096xf32, #tpu.memory_space<vmem>>, vector<16xf32>,
      tpu.vector_store_idx %arg6[%get3A_399], %get3A_405 {add = true} : memref<100000xf32, #tpu.memory_space<vmem>>[vector<16xi32>], vector<16xf32>,
      %scan3A_406 = arith.constant 5 : i32
      %scan3A_407 = arith.addi %scan3A_338, %scan3A_406 : i32
      %mul3A_408 = arith.constant 16 : i32
      %mul3A_409 = arith.muli %scan3A_407, %mul3A_408 : i32
      %add3A_410 = arith.constant 8192 : i32
      %add3A_411 = arith.addi %add3A_410, %mul3A_409 : i32
      %get3A_412 = arith.index_cast %add3A_411 : i32 to index
      %get3A_413 = tpu.vector_load %arg7[%get3A_412] {strides = array<i32>} : memref<16384xi32, #tpu.memory_space<vmem>>, vector<16xi32>,
      %mul3A_414 = arith.constant 16 : i32
      %mul3A_415 = arith.muli %scan3A_407, %mul3A_414 : i32
      %get3A_416 = arith.constant 0 : i32
      %get3A_417 = arith.index_cast %get3A_416 : i32 to index
      %get3A_418 = arith.index_cast %mul3A_415 : i32 to index
      %get3A_419 = tpu.vector_load %arg8[%get3A_417, %get3A_418] {strides = array<i32>} : memref<2x4096xf32, #tpu.memory_space<vmem>>, vector<16xf32>,
      tpu.vector_store_idx %arg6[%get3A_413], %get3A_419 {add = true} : memref<100000xf32, #tpu.memory_space<vmem>>[vector<16xi32>], vector<16xf32>,
      %scan3A_420 = arith.constant 6 : i32
      %scan3A_421 = arith.addi %scan3A_338, %scan3A_420 : i32
      %mul3A_422 = arith.constant 16 : i32
      %mul3A_423 = arith.muli %scan3A_421, %mul3A_422 : i32
      %add3A_424 = arith.constant 8192 : i32
      %add3A_425 = arith.addi %add3A_424, %mul3A_423 : i32
      %get3A_426 = arith.index_cast %add3A_425 : i32 to index
      %get3A_427 = tpu.vector_load %arg7[%get3A_426] {strides = array<i32>} : memref<16384xi32, #tpu.memory_space<vmem>>, vector<16xi32>,
      %mul3A_428 = arith.constant 16 : i32
      %mul3A_429 = arith.muli %scan3A_421, %mul3A_428 : i32
      %get3A_430 = arith.constant 0 : i32
      %get3A_431 = arith.index_cast %get3A_430 : i32 to index
      %get3A_432 = arith.index_cast %mul3A_429 : i32 to index
      %get3A_433 = tpu.vector_load %arg8[%get3A_431, %get3A_432] {strides = array<i32>} : memref<2x4096xf32, #tpu.memory_space<vmem>>, vector<16xf32>,
      tpu.vector_store_idx %arg6[%get3A_427], %get3A_433 {add = true} : memref<100000xf32, #tpu.memory_space<vmem>>[vector<16xi32>], vector<16xf32>,
      %scan3A_434 = arith.constant 7 : i32
      %scan3A_435 = arith.addi %scan3A_338, %scan3A_434 : i32
      %mul3A_436 = arith.constant 16 : i32
      %mul3A_437 = arith.muli %scan3A_435, %mul3A_436 : i32
      %add3A_438 = arith.constant 8192 : i32
      %add3A_439 = arith.addi %add3A_438, %mul3A_437 : i32
      %get3A_440 = arith.index_cast %add3A_439 : i32 to index
      %get3A_441 = tpu.vector_load %arg7[%get3A_440] {strides = array<i32>} : memref<16384xi32, #tpu.memory_space<vmem>>, vector<16xi32>,
      %mul3A_442 = arith.constant 16 : i32
      %mul3A_443 = arith.muli %scan3A_435, %mul3A_442 : i32
      %get3A_444 = arith.constant 0 : i32
      %get3A_445 = arith.index_cast %get3A_444 : i32 to index
      %get3A_446 = arith.index_cast %mul3A_443 : i32 to index
      %get3A_447 = tpu.vector_load %arg8[%get3A_445, %get3A_446] {strides = array<i32>} : memref<2x4096xf32, #tpu.memory_space<vmem>>, vector<16xf32>,
      tpu.vector_store_idx %arg6[%get3A_441], %get3A_447 {add = true} : memref<100000xf32, #tpu.memory_space<vmem>>[vector<16xi32>], vector<16xf32>,
    }
    %scan3A_306 = arith.constant 256 : i32
    %dma_wait3A_307 = arith.constant 1 : i32
    %dma_wait3A_308 = arith.constant 0 : i32
    %dma_wait3A_309 = tpu.memref_slice %arg8[%dma_wait3A_307, %dma_wait3A_308] : memref<2x4096xf32, #tpu.memory_space<vmem>> -> memref<1x4096xf32, #tpu.memory_space<vmem>>
    %dma_wait3A_310 = tpu.memref_squeeze %dma_wait3A_309 : memref<1x4096xf32, #tpu.memory_space<vmem>> -> memref<4096xf32, #tpu.memory_space<vmem>>
    %dma_wait3A_311 = arith.constant 12288 : i32
    %dma_wait3A_312 = tpu.memref_slice %arg4[%add3A_198, %dma_wait3A_311] : memref<64x16384xf32, #tpu.memory_space<hbm>> -> memref<1x4096xf32, #tpu.memory_space<hbm>>
    %dma_wait3A_313 = tpu.memref_squeeze %dma_wait3A_312 : memref<1x4096xf32, #tpu.memory_space<hbm>> -> memref<4096xf32, #tpu.memory_space<hbm>>
    %dma_wait3A_314 = arith.constant 0 : i32
    %dma_wait3A_315 = tpu.memref_slice %arg8[%dma_wait3A_307, %dma_wait3A_314] : memref<2x4096xf32, #tpu.memory_space<vmem>> -> memref<1x4096xf32, #tpu.memory_space<vmem>>
    %dma_wait3A_316 = tpu.memref_squeeze %dma_wait3A_315 : memref<1x4096xf32, #tpu.memory_space<vmem>> -> memref<4096xf32, #tpu.memory_space<vmem>>
    %dma_wait3A_317 = arith.constant 12288 : i32
    %dma_wait3A_318 = tpu.memref_slice %arg4[%add3A_198, %dma_wait3A_317] : memref<64x16384xf32, #tpu.memory_space<hbm>> -> memref<1x4096xf32, #tpu.memory_space<hbm>>
    %dma_wait3A_319 = tpu.memref_squeeze %dma_wait3A_318 : memref<1x4096xf32, #tpu.memory_space<hbm>> -> memref<4096xf32, #tpu.memory_space<hbm>>
    tpu.wait_dma2 semaphore(%arg13 : memref<!tpu.dma_semaphore, #tpu.memory_space<semaphore_mem>>) src(%dma_wait3A_319 : memref<4096xf32, #tpu.memory_space<hbm>>) dst(%dma_wait3A_316 : memref<4096xf32, #tpu.memory_space<vmem>>)
    %scan3A_320 = arith.constant 0 : i32
    %scan3A_321 = arith.constant 0 : i32
    %scan3A_322 = arith.constant 256 : i32
    %scan3A_323 = arith.addi %scan3A_321, %scan3A_322 : i32
    %scan3A_324 = arith.constant 8 : i32
    scf.for %scan3A_338 = %scan3A_321 to %scan3A_323 step %scan3A_324  : i32 {
      %mul3A_339 = arith.constant 16 : i32
      %mul3A_340 = arith.muli %scan3A_338, %mul3A_339 : i32
      %add3A_341 = arith.constant 12288 : i32
      %add3A_342 = arith.addi %add3A_341, %mul3A_340 : i32
      %get3A = arith.index_cast %add3A_342 : i32 to index
      %get3A_343 = tpu.vector_load %arg7[%get3A] {strides = array<i32>} : memref<16384xi32, #tpu.memory_space<vmem>>, vector<16xi32>,
      %mul3A_344 = arith.constant 16 : i32
      %mul3A_345 = arith.muli %scan3A_338, %mul3A_344 : i32
      %get3A_346 = arith.constant 1 : i32
      %get3A_347 = arith.index_cast %get3A_346 : i32 to index
      %get3A_348 = arith.index_cast %mul3A_345 : i32 to index
      %get3A_349 = tpu.vector_load %arg8[%get3A_347, %get3A_348] {strides = array<i32>} : memref<2x4096xf32, #tpu.memory_space<vmem>>, vector<16xf32>,
      tpu.vector_store_idx %arg6[%get3A_343], %get3A_349 {add = true} : memref<100000xf32, #tpu.memory_space<vmem>>[vector<16xi32>], vector<16xf32>,
      %scan3A_350 = arith.constant 1 : i32
      %scan3A_351 = arith.addi %scan3A_338, %scan3A_350 : i32
      %mul3A_352 = arith.constant 16 : i32
      %mul3A_353 = arith.muli %scan3A_351, %mul3A_352 : i32
      %add3A_354 = arith.constant 12288 : i32
      %add3A_355 = arith.addi %add3A_354, %mul3A_353 : i32
      %get3A_356 = arith.index_cast %add3A_355 : i32 to index
      %get3A_357 = tpu.vector_load %arg7[%get3A_356] {strides = array<i32>} : memref<16384xi32, #tpu.memory_space<vmem>>, vector<16xi32>,
      %mul3A_358 = arith.constant 16 : i32
      %mul3A_359 = arith.muli %scan3A_351, %mul3A_358 : i32
      %get3A_360 = arith.constant 1 : i32
      %get3A_361 = arith.index_cast %get3A_360 : i32 to index
      %get3A_362 = arith.index_cast %mul3A_359 : i32 to index
      %get3A_363 = tpu.vector_load %arg8[%get3A_361, %get3A_362] {strides = array<i32>} : memref<2x4096xf32, #tpu.memory_space<vmem>>, vector<16xf32>,
      tpu.vector_store_idx %arg6[%get3A_357], %get3A_363 {add = true} : memref<100000xf32, #tpu.memory_space<vmem>>[vector<16xi32>], vector<16xf32>,
      %scan3A_364 = arith.constant 2 : i32
      %scan3A_365 = arith.addi %scan3A_338, %scan3A_364 : i32
      %mul3A_366 = arith.constant 16 : i32
      %mul3A_367 = arith.muli %scan3A_365, %mul3A_366 : i32
      %add3A_368 = arith.constant 12288 : i32
      %add3A_369 = arith.addi %add3A_368, %mul3A_367 : i32
      %get3A_370 = arith.index_cast %add3A_369 : i32 to index
      %get3A_371 = tpu.vector_load %arg7[%get3A_370] {strides = array<i32>} : memref<16384xi32, #tpu.memory_space<vmem>>, vector<16xi32>,
      %mul3A_372 = arith.constant 16 : i32
      %mul3A_373 = arith.muli %scan3A_365, %mul3A_372 : i32
      %get3A_374 = arith.constant 1 : i32
      %get3A_375 = arith.index_cast %get3A_374 : i32 to index
      %get3A_376 = arith.index_cast %mul3A_373 : i32 to index
      %get3A_377 = tpu.vector_load %arg8[%get3A_375, %get3A_376] {strides = array<i32>} : memref<2x4096xf32, #tpu.memory_space<vmem>>, vector<16xf32>,
      tpu.vector_store_idx %arg6[%get3A_371], %get3A_377 {add = true} : memref<100000xf32, #tpu.memory_space<vmem>>[vector<16xi32>], vector<16xf32>,
      %scan3A_378 = arith.constant 3 : i32
      %scan3A_379 = arith.addi %scan3A_338, %scan3A_378 : i32
      %mul3A_380 = arith.constant 16 : i32
      %mul3A_381 = arith.muli %scan3A_379, %mul3A_380 : i32
      %add3A_382 = arith.constant 12288 : i32
      %add3A_383 = arith.addi %add3A_382, %mul3A_381 : i32
      %get3A_384 = arith.index_cast %add3A_383 : i32 to index
      %get3A_385 = tpu.vector_load %arg7[%get3A_384] {strides = array<i32>} : memref<16384xi32, #tpu.memory_space<vmem>>, vector<16xi32>,
      %mul3A_386 = arith.constant 16 : i32
      %mul3A_387 = arith.muli %scan3A_379, %mul3A_386 : i32
      %get3A_388 = arith.constant 1 : i32
      %get3A_389 = arith.index_cast %get3A_388 : i32 to index
      %get3A_390 = arith.index_cast %mul3A_387 : i32 to index
      %get3A_391 = tpu.vector_load %arg8[%get3A_389, %get3A_390] {strides = array<i32>} : memref<2x4096xf32, #tpu.memory_space<vmem>>, vector<16xf32>,
      tpu.vector_store_idx %arg6[%get3A_385], %get3A_391 {add = true} : memref<100000xf32, #tpu.memory_space<vmem>>[vector<16xi32>], vector<16xf32>,
      %scan3A_392 = arith.constant 4 : i32
      %scan3A_393 = arith.addi %scan3A_338, %scan3A_392 : i32
      %mul3A_394 = arith.constant 16 : i32
      %mul3A_395 = arith.muli %scan3A_393, %mul3A_394 : i32
      %add3A_396 = arith.constant 12288 : i32
      %add3A_397 = arith.addi %add3A_396, %mul3A_395 : i32
      %get3A_398 = arith.index_cast %add3A_397 : i32 to index
      %get3A_399 = tpu.vector_load %arg7[%get3A_398] {strides = array<i32>} : memref<16384xi32, #tpu.memory_space<vmem>>, vector<16xi32>,
      %mul3A_400 = arith.constant 16 : i32
      %mul3A_401 = arith.muli %scan3A_393, %mul3A_400 : i32
      %get3A_402 = arith.constant 1 : i32
      %get3A_403 = arith.index_cast %get3A_402 : i32 to index
      %get3A_404 = arith.index_cast %mul3A_401 : i32 to index
      %get3A_405 = tpu.vector_load %arg8[%get3A_403, %get3A_404] {strides = array<i32>} : memref<2x4096xf32, #tpu.memory_space<vmem>>, vector<16xf32>,
      tpu.vector_store_idx %arg6[%get3A_399], %get3A_405 {add = true} : memref<100000xf32, #tpu.memory_space<vmem>>[vector<16xi32>], vector<16xf32>,
      %scan3A_406 = arith.constant 5 : i32
      %scan3A_407 = arith.addi %scan3A_338, %scan3A_406 : i32
      %mul3A_408 = arith.constant 16 : i32
      %mul3A_409 = arith.muli %scan3A_407, %mul3A_408 : i32
      %add3A_410 = arith.constant 12288 : i32
      %add3A_411 = arith.addi %add3A_410, %mul3A_409 : i32
      %get3A_412 = arith.index_cast %add3A_411 : i32 to index
      %get3A_413 = tpu.vector_load %arg7[%get3A_412] {strides = array<i32>} : memref<16384xi32, #tpu.memory_space<vmem>>, vector<16xi32>,
      %mul3A_414 = arith.constant 16 : i32
      %mul3A_415 = arith.muli %scan3A_407, %mul3A_414 : i32
      %get3A_416 = arith.constant 1 : i32
      %get3A_417 = arith.index_cast %get3A_416 : i32 to index
      %get3A_418 = arith.index_cast %mul3A_415 : i32 to index
      %get3A_419 = tpu.vector_load %arg8[%get3A_417, %get3A_418] {strides = array<i32>} : memref<2x4096xf32, #tpu.memory_space<vmem>>, vector<16xf32>,
      tpu.vector_store_idx %arg6[%get3A_413], %get3A_419 {add = true} : memref<100000xf32, #tpu.memory_space<vmem>>[vector<16xi32>], vector<16xf32>,
      %scan3A_420 = arith.constant 6 : i32
      %scan3A_421 = arith.addi %scan3A_338, %scan3A_420 : i32
      %mul3A_422 = arith.constant 16 : i32
      %mul3A_423 = arith.muli %scan3A_421, %mul3A_422 : i32
      %add3A_424 = arith.constant 12288 : i32
      %add3A_425 = arith.addi %add3A_424, %mul3A_423 : i32
      %get3A_426 = arith.index_cast %add3A_425 : i32 to index
      %get3A_427 = tpu.vector_load %arg7[%get3A_426] {strides = array<i32>} : memref<16384xi32, #tpu.memory_space<vmem>>, vector<16xi32>,
      %mul3A_428 = arith.constant 16 : i32
      %mul3A_429 = arith.muli %scan3A_421, %mul3A_428 : i32
      %get3A_430 = arith.constant 1 : i32
      %get3A_431 = arith.index_cast %get3A_430 : i32 to index
      %get3A_432 = arith.index_cast %mul3A_429 : i32 to index
      %get3A_433 = tpu.vector_load %arg8[%get3A_431, %get3A_432] {strides = array<i32>} : memref<2x4096xf32, #tpu.memory_space<vmem>>, vector<16xf32>,
      tpu.vector_store_idx %arg6[%get3A_427], %get3A_433 {add = true} : memref<100000xf32, #tpu.memory_space<vmem>>[vector<16xi32>], vector<16xf32>,
      %scan3A_434 = arith.constant 7 : i32
      %scan3A_435 = arith.addi %scan3A_338, %scan3A_434 : i32
      %mul3A_436 = arith.constant 16 : i32
      %mul3A_437 = arith.muli %scan3A_435, %mul3A_436 : i32
      %add3A_438 = arith.constant 12288 : i32
      %add3A_439 = arith.addi %add3A_438, %mul3A_437 : i32
      %get3A_440 = arith.index_cast %add3A_439 : i32 to index
      %get3A_441 = tpu.vector_load %arg7[%get3A_440] {strides = array<i32>} : memref<16384xi32, #tpu.memory_space<vmem>>, vector<16xi32>,
      %mul3A_442 = arith.constant 16 : i32
      %mul3A_443 = arith.muli %scan3A_435, %mul3A_442 : i32
      %get3A_444 = arith.constant 1 : i32
      %get3A_445 = arith.index_cast %get3A_444 : i32 to index
      %get3A_446 = arith.index_cast %mul3A_443 : i32 to index
      %get3A_447 = tpu.vector_load %arg8[%get3A_445, %get3A_446] {strides = array<i32>} : memref<2x4096xf32, #tpu.memory_space<vmem>>, vector<16xf32>,
      tpu.vector_store_idx %arg6[%get3A_441], %get3A_447 {add = true} : memref<100000xf32, #tpu.memory_space<vmem>>[vector<16xi32>], vector<16xf32>,
    }
    %scan3A_325 = arith.constant 256 : i32
    %dma_start3A_326 = arith.constant 0 : i32
    %dma_start3A_327 = tpu.memref_slice %arg5[%add3A_198, %dma_start3A_326] : memref<64x100000xf32, #tpu.memory_space<hbm>> -> memref<1x100000xf32, #tpu.memory_space<hbm>>
    %dma_start3A_328 = tpu.memref_squeeze %dma_start3A_327 : memref<1x100000xf32, #tpu.memory_space<hbm>> -> memref<100000xf32, #tpu.memory_space<hbm>>
    %dma_start3A_329 = arith.constant 0 : i32
    %dma_start3A_330 = tpu.memref_slice %arg5[%add3A_198, %dma_start3A_329] : memref<64x100000xf32, #tpu.memory_space<hbm>> -> memref<1x100000xf32, #tpu.memory_space<hbm>>
    %dma_start3A_331 = tpu.memref_squeeze %dma_start3A_330 : memref<1x100000xf32, #tpu.memory_space<hbm>> -> memref<100000xf32, #tpu.memory_space<hbm>>
    tpu.enqueue_dma source(%arg6 : memref<100000xf32, #tpu.memory_space<vmem>>) target(%dma_start3A_331 : memref<100000xf32, #tpu.memory_space<hbm>>) target_semaphore(%arg10 : memref<!tpu.dma_semaphore, #tpu.memory_space<semaphore_mem>>)
    %dma_wait3A_332 = arith.constant 0 : i32
    %dma_wait3A_333 = tpu.memref_slice %arg5[%add3A_198, %dma_wait3A_332] : memref<64x100000xf32, #tpu.memory_space<hbm>> -> memref<1x100000xf32, #tpu.memory_space<hbm>>
    %dma_wait3A_334 = tpu.memref_squeeze %dma_wait3A_333 : memref<1x100000xf32, #tpu.memory_space<hbm>> -> memref<100000xf32, #tpu.memory_space<hbm>>
    %dma_wait3A_335 = arith.constant 0 : i32
    %dma_wait3A_336 = tpu.memref_slice %arg5[%add3A_198, %dma_wait3A_335] : memref<64x100000xf32, #tpu.memory_space<hbm>> -> memref<1x100000xf32, #tpu.memory_space<hbm>>
    %dma_wait3A_337 = tpu.memref_squeeze %dma_wait3A_336 : memref<1x100000xf32, #tpu.memory_space<hbm>> -> memref<100000xf32, #tpu.memory_space<hbm>>
    tpu.wait_dma2 semaphore(%arg10 : memref<!tpu.dma_semaphore, #tpu.memory_space<semaphore_mem>>) src(%arg6 : memref<100000xf32, #tpu.memory_space<vmem>>) dst(%dma_wait3A_337 : memref<100000xf32, #tpu.memory_space<hbm>>)
    return
  }
}

</mosaic_0001>

<sc_bundles>
// kernel: kernel.3.cloned.1.call-start
scs
__scs_entry_jumppad:
0x0: {  	(pc) =	sbr.rel $0x88, $3  }
0x1: {  	(tag) =	ssettag $0x0;
	lr =	simm.s32 $0x1  }
0x2: {  	[smem:$0x3F9E] =	sst lr;
	_ =	strace $0xD0000000  }
0x3: {  	_ = 	snop  }
0x4: {  	_ = 	snop  }
0x5: {  	_ = 	snop  }
0x6: {  	_ = 	snop  }
0x7: {  	_ = 	snop  }
__scs_overlays_trampoline_lowered:
0x8: {  	[smem:$0x3FAD] =	sst s0  }
0x9: {  	[smem:$0x3FAE] =	sst s1  }
0xa: {  	[smem:$0x3FAF] =	sst s2  }
0xb: {  	[smem:$0x3FB0] =	sst s3  }
0xc: {  	[smem:$0x3FB1] =	sst s4  }
0xd: {  	[smem:$0x3FB2] =	sst s5  }
0xe: {  	[smem:$0x3FB3] =	sst s6  }
0xf: {  	[smem:$0x3FB4] =	sst s7  }
0x10: {  	[smem:$0x3FB5] =	sst s8  }
0x11: {  	[smem:$0x3FB6] =	sst s9;
	s0 =	simm.s32 @!p0 $0x0  }
0x12: {  	s1 =	sld [smem:$0x3F9C];
	s0 =	simm.s32 @p0 $0x1  }
0x13: {  	[smem:$0x3FB7] =	sst s0;
	s0 =	simm.s32 @!p1 $0x0  }
0x14: {  	s2 =	sld [smem:$0x3F9B];
	s0 =	simm.s32 @p1 $0x1  }
0x15: {  	[smem:$0x3FB8] =	sst s0;
	s0 =	simm.s32 @!p2 $0x0  }
0x16: {  	s3 =	sld [smem:$0x3FDB];
	s0 =	simm.s32 @p2 $0x1  }
0x17: {  	s4 =	simm.s32 $0x1BF5;
	[smem:$0x3FBA] =	sst s0  }
0x18: {  	s0 =	sld [smem:$0x3F9D];
	_ =	swait.ge [sflag:s4], $0x0  }
0x19: {  	s7 =	sld [smem:$0x3F9E]  }
0x1a: {  	s8 =	sadd.s32 $0xFFFFE003, lr  }
0x1b: {  	s9 =	sadd.s32 $0xFFFFFEF7, lr;
	s5 =	simm.s32 $0xFFFFFFFF;
	p2 =	slt.u32 s8, $0xFFFFF086  }
0x1c: {  	p1 =	slt.u32 s9, $0xF7A;
	s5 =	simm.s32 @!p2 $0x0  }
0x1d: {  	s5 =	simm.s32 @p1 $0x1;
	p0 =	seq.s32 s7, s2  }
0x1e: {  	s7 =	smul.u32 @!p0 $0xF7A, s2;
	p2 =	seq.s32 @!p0 s5, $0x0  }
0x1f: {  	s9 =	smul.u32 $0xF7A, s1;
	s8 =	simm.s32 @!p0 $0x1BF5;
	p2 =	por !p2, p0  }
0x20: {  	[sflag:s8] =	ssyncset.s32 @!p0 $0xFFFFF086;
	s6 =	sadd.s32 @!p0 s3, s7;
	s7 =	simm.s32 @!p0 $0x108  }
0x21: {  	s3 =	sadd.s32 s3, s9;
	s6 =	sadd.s32 @!p0 $0x88, s6;
	s7 =	simm.s32 @p2 $0x1082  }
0x22: {  	[simem:s7], [sflag:s8] =	dma.local @!p0 [hbm:s6], $0xF7A  }
0x23: {  	s9 =	sor.u32 $0xD0000000, s2;
	s6 =	simm.s32 $0x108;
	_ =	swait.ge @!p0 [sflag:s8], $0x0  }
0x24: {  	s3 =	sadd.s32 $0x88, s3;
	s6 =	simm.s32 @!p1 $0x1082;
	[sflag:s4] =	ssyncset.s32 $0xFFFFF086  }
0x25: {  	[simem:s6], [sflag:s4] =	dma.local [hbm:s3], $0xF7A  }
0x26: {  	[smem:$0x3F9E] =	sst s1;
	(tag) =	ssettag s2;
	_ =	strace s9  }
0x27: {  	s1 =	sld [smem:$0x3FAE]  }
0x28: {  	s2 =	sld [smem:$0x3FAF]  }
0x29: {  	s4 =	sld [smem:$0x3FB1]  }
0x2a: {  	p0 =	seq.s32 s5, $0x0;
	s5 =	sld [smem:$0x3FB2]  }
0x2b: {  	s6 =	sld [smem:$0x3FB3]  }
0x2c: {  	s7 =	sld [smem:$0x3FB4]  }
0x2d: {  	s3 =	simm.s32 $0x108;
	s8 =	sld [smem:$0x3FB5]  }
0x2e: {  	s3 =	simm.s32 @!p0 $0x1082;
	s9 =	sld [smem:$0x3FB6]  }
0x2f: {  	lr =	sadd.s32 s0, s3;
	s0 =	sld [smem:$0x3FAD]  }
0x30: {  	s3 =	sld [smem:$0x3FB0]  }
0x31: {  	[smem:$0x3FB9] =	sst s10  }
0x32: {  	s10 =	sld [smem:$0x3FB7];
	_ =	sdelay $0x3  }
0x33: {  	p0 =	seq.s32 s10, $0x1;
	s10 =	sld [smem:$0x3FB9];
	_ =	sdelay $0x3  }
0x34: {  	[smem:$0x3FB9] =	sst s10  }
0x35: {  	s10 =	sld [smem:$0x3FB8];
	_ =	sdelay $0x3  }
0x36: {  	p1 =	seq.s32 s10, $0x1;
	s10 =	sld [smem:$0x3FB9];
	_ =	sdelay $0x3  }
0x37: {  	[smem:$0x3FB9] =	sst s10  }
0x38: {  	s10 =	sld [smem:$0x3FBA]  }
0x39: {  	_ = 	snop;
	(pc) =	sbr.ind lr, $3  }
0x3a: {  	_ = 	snop  }
0x3b: {  	_ = 	snop  }
0x3c: {  	p2 =	seq.s32 s10, $0x1;
	s10 =	sld [smem:$0x3FB9]  }
0x3d: {  	_ =	shalt  }
0x3e: {  	_ =	shalt  }
0x3f: {  	_ =	shalt  }
0x40: {  	_ =	shalt  }
0x41: {  	_ =	shalt  }
0x42: {  	_ =	shalt  }
0x43: {  	_ =	shalt  }
0x44: {  	_ =	shalt  }
0x45: {  	_ =	shalt  }
0x46: {  	_ =	shalt  }
0x47: {  	_ =	shalt  }
0x48: {  	_ =	shalt  }
0x49: {  	_ =	shalt  }
0x4a: {  	_ =	shalt  }
0x4b: {  	_ =	shalt  }
0x4c: {  	_ =	shalt  }
0x4d: {  	_ =	shalt  }
0x4e: {  	_ =	shalt  }
0x4f: {  	_ =	shalt  }
0x50: {  	_ =	shalt  }
0x51: {  	_ =	shalt  }
0x52: {  	_ =	shalt  }
0x53: {  	_ =	shalt  }
0x54: {  	_ =	shalt  }
0x55: {  	_ =	shalt  }
0x56: {  	_ =	shalt  }
0x57: {  	_ =	shalt  }
0x58: {  	_ =	shalt  }
0x59: {  	_ =	shalt  }
0x5a: {  	_ =	shalt  }
0x5b: {  	_ =	shalt  }
0x5c: {  	_ =	shalt  }
0x5d: {  	_ =	shalt  }
0x5e: {  	_ =	shalt  }
0x5f: {  	_ =	shalt  }
0x60: {  	_ =	shalt  }
0x61: {  	_ =	shalt  }
0x62: {  	_ =	shalt  }
0x63: {  	_ =	shalt  }
0x64: {  	_ =	shalt  }
0x65: {  	_ =	shalt  }
0x66: {  	_ =	shalt  }
0x67: {  	_ =	shalt  }
0x68: {  	_ =	shalt  }
0x69: {  	_ =	shalt  }
0x6a: {  	_ =	shalt  }
0x6b: {  	_ =	shalt  }
0x6c: {  	_ =	shalt  }
0x6d: {  	_ =	shalt  }
0x6e: {  	_ =	shalt  }
0x6f: {  	_ =	shalt  }
0x70: {  	_ =	shalt  }
0x71: {  	_ =	shalt  }
0x72: {  	_ =	shalt  }
0x73: {  	_ =	shalt  }
0x74: {  	_ =	shalt  }
0x75: {  	_ =	shalt  }
0x76: {  	_ =	shalt  }
0x77: {  	_ =	shalt  }
0x78: {  	_ =	shalt  }
0x79: {  	_ =	shalt  }
0x7a: {  	_ =	shalt  }
0x7b: {  	_ =	shalt  }
0x7c: {  	_ =	shalt  }
0x7d: {  	_ =	shalt  }
0x7e: {  	_ =	shalt  }
0x7f: {  	_ =	shalt  }
0x80: {  	_ =	shalt  }
0x81: {  	_ =	shalt  }
0x82: {  	_ =	shalt  }
0x83: {  	_ =	shalt  }
0x84: {  	_ =	shalt  }
0x85: {  	_ =	shalt  }
0x86: {  	_ =	shalt  }
0x87: {  	_ =	shalt  }
.Lfunc_end0:
.L_simem_size_0:
called_computation_lowered:
.L_overlay_start_0:
0x88: {  	s2 =	sld [smem:$0x3FD9]  }
0x89: {  	s3 =	sld [smem:$0x3FFE];
	_ =	sdelay $0x1  }
0x8a: {  	s1 =	srdreg.scid  }
0x8b: {  	s0 =	sand.u32 $0x1, s1  }
0x8c: {  	s18 =	sshll.u32 s0, $0xA;
	s2 =	sadd.s32 s3, s2  }
0x8d: {  	s2 =	sadd.s32 s2, s18  }
0x8e: {  	[smem:$0x3FC5] =	sst s2  }
0x8f: {  	_ = 	snop  }
0x90: {  	s2 =	sld [smem:$0x3FC9]  }
0x91: {  	s19 =	sld [smem:$0x3FC8]  }
0x92: {  	s4 =	sld [smem:$0x3FC7]  }
0x93: {  	s5 =	sld [smem:$0x3FD0];
	(tm) =	ssettm $0x1  }
0x94: {  	s6 =	sld [smem:$0x3FFB];
	_ =	sdelay $0x3  }
0x95: {  	_ =	strace s6  }
0x96: {  	s6 =	sld [smem:$0x3FFC];
	_ =	sdelay $0x3  }
0x97: {  	_ =	strace s6  }
0x98: {  	s6 =	sld [smem:$0x3FFD];
	_ =	sdelay $0x3  }
0x99: {  	_ =	strace s6  }
0x9a: {  	_ =	strace $0x8FFFFFFF  }
0x9b: {  	s20 =	sld [smem:$0x3FDB];
	_ =	sdelay $0x1  }
0x9c: {  	s7 =	simm.s32 $_scs_section_size  }
0x9d: {  	s8 =	simm.s32 $_size__tile_overlayer_lowered;
	s9 =	simm.s32 $_tile_overlayer_lowered  }
0x9e: {  	s23 =	simm.s32 $0x1BFF;
	s22 =	sshll.u32 s9, $0x1;
	s6 =	sadd.s32 s7, s20  }
0x9f: {  	s10 =	simm.s32 $0x0;
	s21 =	sshll.u32 s8, $0x1;
	s8 =	sadd.s32 s22, s6  }
0xa0: {  	[timem:s10], [sflag:s23] =	dma.local [hbm:s8], s21  }
0xa1: {  	_ =	swait.ge [sflag:s23], s21  }
0xa2: {  	s7 =	ssub.s32 $0x0, s21;
	[sflag:s23] =	ssyncset.done $0x0  }
0xa3: {  	[sflag:s23] =	ssyncadd.s32 s7;
	_ =	sdelay $0x1  }
0xa4: {  	s24 =	simm.s32 $0x1B8B  }
0xa5: {  	_ =	swait.ge [sflag:s24], $0x1  }
0xa6: {  	[sflag:s24] =	ssyncset.done $0x0  }
0xa7: {  	s25 =	simm.s32 $0x1B8E;
	[sflag:s24] =	ssyncadd.s32 $0xFFFFFFFF  }
0xa8: {  	s26 =	simm.s32 $execute0_lowered;
	[smem:$0x3FD2] =	sst s25  }
0xa9: {  	s7 =	sshll.u32 s26, $0x1;
	_ =	strace $0x80000046;
	[dreg:$0x1] =	wrdreg $0xFFFFFFFF  }
0xaa: {  	s28 =	simm.s32 $_size_execute0_lowered;
	s6 =	sadd.s32 s6, s7;
	[dreg:$0x0] =	wrdreg $0x0  }
0xab: {  	s7 =	sshll.u32 s28, $0x1;
	[dreg:$0x2] =	wrdreg s6  }
0xac: {  	[dreg:$0x3] =	wrdreg s7  }
0xad: {  	[dreg:$0x4] =	wrdreg $0xC0  }
0xae: {  	_ =	task [dreg:s10], $0x5FFFF  }
0xaf: {  	[dreg:$0x1] =	wrdreg $0xFFFFFFFF  }
0xb0: {  	[dreg:$0x0] =	wrdreg $0x60  }
0xb1: {  	[dreg:$0x2] =	wrdreg s2  }
0xb2: {  	[dreg:$0x3] =	wrdreg s19  }
0xb3: {  	[dreg:$0x4] =	wrdreg s4  }
0xb4: {  	[dreg:$0x5] =	wrdreg s5  }
0xb5: {  	[dreg:$0x6] =	wrdreg $0x9  }
0xb6: {  	_ =	task.clear_ibuf [dreg:s10], $0x7FFFF;
	_ =	strace $0x90000046  }
0xb7: {  	s29 =	simm.s32 $0x9;
	_ =	strace $0x80000048  }
0xb8: {  	_ =	swait.ge [sflag:s29], $0x1  }
0xb9: {  	[sflag:s29] =	ssyncadd.s32 $0xFFFFFFFF  }
0xba: {  	_ =	strace $0x90000048  }
0xbb: {  	_ =	sfence  }
0xbc: {  	s30 =	sld [smem:$0x0];
	_ =	sdelay $0x2  }
0xbd: {  	s31 =	sshll.u32 s1, $0xD;
	s1 =	sshrl.u32 s1, $0x2  }
0xbe: {  	s3 =	sand.u32 $0x4000, s31;
	s1 =	sadd.s32 s1, s30  }
0xbf: {  	s0 =	sor.u32 s3, s0;
	s1 =	sshll.u32 s1, $0x11  }
0xc0: {  	s0 =	sor.u32 s1, s0  }
0xc1: {  	s0 =	sadd.s32 $0x8F2B, s0  }
0xc2: {  	[sflag:s0] =	ssyncadd.remote.s32 $0x1  }
0xc3: {  	_ =	sfence.sel $0xFFFF  }
0xc4: {  	[dreg:$0x0] =	wrdreg $0xFFFFFFFF;
	(pc) =	sbr.abs _section_cstart, $3  }
0xc5: {  	[dreg:$0x1] =	wrdreg $0xFFFFFFFF  }
0xc6: {  	_ =	task.clear_ibuf [dreg:s10], $0x2FFFF;
	_ =	strace $0x9FFFFFFF  }
0xc7: {  	(tm) =	ssettm $0x7FFFFFFF  }
tec
execute0_lowered:
.L_overlay_start_1:
0x0: {  	(tag) =	ssettag $0x1  }
0x1: {  	s12 =	rddreg [dreg:$0x0]  }
0x2: {  	s11 =	rddreg [dreg:$0x1]  }
0x3: {  	s9 =	rddreg [dreg:$0x2]  }
0x4: {  	s16 =	rddreg [dreg:$0x3]  }
0x5: {  	s0 =	rddreg [dreg:$0x4]  }
0x6: {  	s2 =	simm.s32 $0x0;
	s3 =	srdreg.scid;
	s1 =	stileid.u32  }
0x7: {  	s21 =	simm.s32 $0x1;
	s22 =	simm.s32 $0x3;
	s23 =	simm.s32 $0x4  }
0x8: {  	s24 =	simm.s32 $0x5;
	s25 =	simm.s32 $0x2;
	s26 =	simm.s32 $0x0  }
0x9: {  	[smem:$0x7FF] =	sst s2;
	s3 =	sand.u32 $0x1, s3;
	s4 =	sshll.u32 s1, $0x8  }
0xa: {  	s5 =	sshrl.u32 s1, $0x2;
	s14 =	sadd.s32 $0x1000, s9;
	s18 =	sadd.s32 $0x2000, s9  }
0xb: {  	s20 =	sadd.s32 $0x3000, s9;
	s6 =	sshll.u32 s3, $0x7;
	s4 =	sand.u32 $0x300, s4  }
0xc: {  	s7 =	smul.u32 $0xC3800, s5;
	_ =	strace $0x80000047;
	s3 =	ssub.s32 $0x2, s3  }
0xd: {  	s28 =	sshll.u32 s5, $0x11;
	s31 =	sor.u32 $0x4, s5;
	s10 =	sor.u32 s6, s4  }
0xe: {  	s29 =	sshrl.u32 s3, $0x1;
	s15 =	sshll.u32 s31, $0x11;
	s19 =	smul.u32 $0xC3800, s31  }
0xf: {  	s4 =	sor.u32 s7, s10;
	s30 =	sor.u32 s28, s10;
	s17 =	ssub.s32 s3, s29  }
0x10: {  	s15 =	sor.u32 s10, s15;
	s13 =	sshrl.u32 s4, $0x3;
	s8 =	sshrl.u32 s30, $0x3  }
0x11: {  	s15 =	sshrl.u32 s15, $0x3;
	s19 =	sor.u32 s10, s19;
	s17 =	smax.u32 s17, $0x1  }
0x12: {  	s3 =	sadd.s32 s12, s13;
	s4 =	sadd.s32 s11, s8;
	s5 =	sadd.s32 s9, s8  }
0x13: {  	s6 =	sadd.s32 s8, s14;
	s7 =	sadd.s32 s8, s18;
	s8 =	sadd.s32 s8, s20  }
0x14: {  	s9 =	sadd.s32 s9, s15;
	s10 =	sadd.s32 s16, s13;
	s11 =	sadd.s32 s11, s15  }
0x15: {  	s19 =	sshrl.u32 s19, $0x3;
	s13 =	sadd.s32 s15, s14;
	s14 =	sadd.s32 s15, s18  }
0x16: {  	s15 =	sadd.s32 s15, s20;
	s18 =	simm.s32 $0x80;
	s20 =	simm.s32 $0x18700  }
0x17: {  	s12 =	sadd.s32 s12, s19;
	s16 =	sadd.s32 s16, s19;
	s19 =	simm.s32 $0x400  }
.LBB2_1:
0x18: {  	[tilespmem:s2], [sflag:$0x1] =	stream.strided.gather [hbm4b:s3+s18], $0x18700, s19, s18, $0x38;
	[tilespmem:$0x1E700] =	vst v63  }
0x19: {  	s28 =	simm.s32 $0x1C700  }
0x1a: {  	s29 =	simm.s32 $0x80;
	s31 =	sadd.s32 $0x0, s5;
	s30 =	simm.s32 $0x1C800  }
0x1b: {  	[tilespmem:s20], [sflag:$0x3] =	stream.strided.gather [hbm4b:s4+s18], $0x4000, s19, s18, $0x38;
	[tilespmem:$0x1E700] =	vst v63  }
.LBB2_2:
0x1c: {  	[tilespmem:s28], [sflag:$0x4] =	stream.linear.gather [hbm4b:s31+s2], $0x80, $0x38;
	[tilespmem:$0x1E700] =	vst v63  }
0x1d: {  	s31 =	smov.u32 s29;
	s28 =	smov.u32 s30;
	p0 =	sne.s32 s29, $0xF80  }
.Ltmp0:
0x1e: {  	s29 =	sadd.s32 $0x80, s29;
	(pc) =	sbr.rel @p0 .LBB2_2-.Ltmp0, $2  }
0x1f: {  	_ =	sdelay $0x2  }
0x20: {  	s30 =	sadd.s32 $0x100, s30;
	s31 =	sadd.s32 s31, s5  }
0x21: {  	[tilespmem:s28], [sflag:$0x4] =	stream.linear.gather [hbm4b:s31+s2], $0x80, $0x38;
	[tilespmem:$0x1E700] =	vst v63  }
0x22: {  	_ =	swait.ge [sflag:s21], $0x18700  }
0x23: {  	[sflag:s21] =	ssyncset.done $0x0  }
0x24: {  	[sflag:s21] =	ssyncadd.s32 $0xFFFE7900  }
0x25: {  	_ =	swait.ge [sflag:s22], $0x4000  }
0x26: {  	s28 =	simm.s32 $0x1C780;
	s29 =	simm.s32 $0x80;
	[sflag:s22] =	ssyncset.done $0x0  }
0x27: {  	s31 =	sadd.s32 $0x0, s6;
	s30 =	simm.s32 $0x1C880;
	[sflag:s22] =	ssyncadd.s32 $0xFFFFC000  }
.LBB2_4:
0x28: {  	[tilespmem:s28], [sflag:$0x5] =	stream.linear.gather [hbm4b:s31+s2], $0x80, $0x38;
	[tilespmem:$0x1E700] =	vst v63  }
0x29: {  	s31 =	smov.u32 s29;
	s28 =	smov.u32 s30;
	p0 =	sne.s32 s29, $0xF80  }
.Ltmp1:
0x2a: {  	s29 =	sadd.s32 $0x80, s29;
	(pc) =	sbr.rel @p0 .LBB2_4-.Ltmp1, $2  }
0x2b: {  	_ =	sdelay $0x2  }
0x2c: {  	s30 =	sadd.s32 $0x100, s30;
	s31 =	sadd.s32 s31, s6  }
0x2d: {  	[tilespmem:s28], [sflag:$0x5] =	stream.linear.gather [hbm4b:s31+s2], $0x80, $0x38;
	[tilespmem:$0x1E700] =	vst v63  }
0x2e: {  	_ =	swait.ge [sflag:s23], $0x1000  }
0x2f: {  	s28 =	simm.s32 $0xFFFFFFF8;
	[sflag:s23] =	ssyncset.done $0x0  }
0x30: {  	s29 =	simm.s32 $0x18740;
	s30 =	simm.s32 $0x1C740;
	[sflag:s23] =	ssyncadd.s32 $0xFFFFF000  }
.LBB2_6:
0x31: {  	v0 =	vld [tilespmem:s29+$0xFFFFFFC0];
	_ =	sdelay $0x2  }
0x32: {  	v1 =	vld [tilespmem:s30+$0xFFFFFFC0];
	_ =	sdelay $0x4  }
0x33: {  	[tilespmem:v0+s2+$0x0] =	vst.idx.add.f32.msk $0xffff, v1  }
0x34: {  	v0 =	vld [tilespmem:s29+$0xFFFFFFD0];
	_ =	sdelay $0x2  }
0x35: {  	v1 =	vld [tilespmem:s30+$0xFFFFFFD0];
	_ =	sdelay $0x4  }
0x36: {  	[tilespmem:v0+s2+$0x0] =	vst.idx.add.f32.msk $0xffff, v1  }
0x37: {  	v0 =	vld [tilespmem:s29+$0xFFFFFFE0];
	_ =	sdelay $0x2  }
0x38: {  	v1 =	vld [tilespmem:s30+$0xFFFFFFE0];
	_ =	sdelay $0x4  }
0x39: {  	[tilespmem:v0+s2+$0x0] =	vst.idx.add.f32.msk $0xffff, v1  }
0x3a: {  	v0 =	vld [tilespmem:s29+$0xFFFFFFF0];
	_ =	sdelay $0x2  }
0x3b: {  	v1 =	vld [tilespmem:s30+$0xFFFFFFF0];
	_ =	sdelay $0x4  }
0x3c: {  	[tilespmem:v0+s2+$0x0] =	vst.idx.add.f32.msk $0xffff, v1  }
0x3d: {  	v0 =	vld [tilespmem:s29+$0x0];
	_ =	sdelay $0x2  }
0x3e: {  	v1 =	vld [tilespmem:s30+$0x0];
	_ =	sdelay $0x4  }
0x3f: {  	[tilespmem:v0+s2+$0x0] =	vst.idx.add.f32.msk $0xffff, v1  }
0x40: {  	v0 =	vld [tilespmem:s29+$0x10];
	_ =	sdelay $0x2  }
0x41: {  	v1 =	vld [tilespmem:s30+$0x10];
	_ =	sdelay $0x4  }
0x42: {  	[tilespmem:v0+s2+$0x0] =	vst.idx.add.f32.msk $0xffff, v1  }
0x43: {  	v0 =	vld [tilespmem:s29+$0x20];
	_ =	sdelay $0x2  }
0x44: {  	v1 =	vld [tilespmem:s30+$0x20];
	_ =	sdelay $0x4  }
0x45: {  	[tilespmem:v0+s2+$0x0] =	vst.idx.add.f32.msk $0xffff, v1  }
0x46: {  	v0 =	vld [tilespmem:s29+$0x30];
	_ =	sdelay $0x1  }
0x47: {  	s28 =	sadd.s32 $0x8, s28  }
0x48: {  	p0 =	slt.u32 s28, $0xF8;
	v1 =	vld [tilespmem:s30+$0x30]  }
.Ltmp2:
0x49: {  	_ = 	snop;
	(pc) =	sbr.rel @p0 .LBB2_6-.Ltmp2, $2  }
0x4a: {  	_ =	sdelay $0x2  }
0x4b: {  	s29 =	sadd.s32 $0x80, s29;
	s30 =	sadd.s32 $0x100, s30;
	[tilespmem:v0+s2+$0x0] =	vst.idx.add.f32.msk $0xffff, v1  }
0x4c: {  	s28 =	simm.s32 $0x1C700  }
0x4d: {  	s29 =	simm.s32 $0x80;
	s31 =	sadd.s32 $0x0, s7;
	s30 =	simm.s32 $0x1C800  }
.LBB2_8:
0x4e: {  	[tilespmem:s28], [sflag:$0x4] =	stream.linear.gather [hbm4b:s31+s2], $0x80, $0x38;
	[tilespmem:$0x1E700] =	vst v63  }
0x4f: {  	s31 =	smov.u32 s29;
	s28 =	smov.u32 s30;
	p0 =	sne.s32 s29, $0xF80  }
.Ltmp3:
0x50: {  	s29 =	sadd.s32 $0x80, s29;
	(pc) =	sbr.rel @p0 .LBB2_8-.Ltmp3, $2  }
0x51: {  	_ =	sdelay $0x2  }
0x52: {  	s30 =	sadd.s32 $0x100, s30;
	s31 =	sadd.s32 s31, s7  }
0x53: {  	[tilespmem:s28], [sflag:$0x4] =	stream.linear.gather [hbm4b:s31+s2], $0x80, $0x38;
	[tilespmem:$0x1E700] =	vst v63  }
0x54: {  	_ =	swait.ge [sflag:s24], $0x1000  }
0x55: {  	s28 =	simm.s32 $0xFFFFFFF8;
	[sflag:s24] =	ssyncset.done $0x0  }
0x56: {  	s29 =	simm.s32 $0x19770;
	s30 =	simm.s32 $0x1C7F0;
	[sflag:s24] =	ssyncadd.s32 $0xFFFFF000  }
.LBB2_10:
0x57: {  	v0 =	vld [tilespmem:s29+$0xFFFFFF90];
	_ =	sdelay $0x2  }
0x58: {  	v1 =	vld [tilespmem:s30+$0xFFFFFF90];
	_ =	sdelay $0x4  }
0x59: {  	[tilespmem:v0+s2+$0x0] =	vst.idx.add.f32.msk $0xffff, v1  }
0x5a: {  	v0 =	vld [tilespmem:s29+$0xFFFFFFA0];
	_ =	sdelay $0x2  }
0x5b: {  	v1 =	vld [tilespmem:s30+$0xFFFFFFA0];
	_ =	sdelay $0x4  }
0x5c: {  	[tilespmem:v0+s2+$0x0] =	vst.idx.add.f32.msk $0xffff, v1  }
0x5d: {  	v0 =	vld [tilespmem:s29+$0xFFFFFFB0];
	_ =	sdelay $0x2  }
0x5e: {  	v1 =	vld [tilespmem:s30+$0xFFFFFFB0];
	_ =	sdelay $0x4  }
0x5f: {  	[tilespmem:v0+s2+$0x0] =	vst.idx.add.f32.msk $0xffff, v1  }
0x60: {  	v0 =	vld [tilespmem:s29+$0xFFFFFFC0];
	_ =	sdelay $0x2  }
0x61: {  	v1 =	vld [tilespmem:s30+$0xFFFFFFC0];
	_ =	sdelay $0x4  }
0x62: {  	[tilespmem:v0+s2+$0x0] =	vst.idx.add.f32.msk $0xffff, v1  }
0x63: {  	v0 =	vld [tilespmem:s29+$0xFFFFFFD0];
	_ =	sdelay $0x2  }
0x64: {  	v1 =	vld [tilespmem:s30+$0xFFFFFFD0];
	_ =	sdelay $0x4  }
0x65: {  	[tilespmem:v0+s2+$0x0] =	vst.idx.add.f32.msk $0xffff, v1  }
0x66: {  	v0 =	vld [tilespmem:s29+$0xFFFFFFE0];
	_ =	sdelay $0x2  }
0x67: {  	v1 =	vld [tilespmem:s30+$0xFFFFFFE0];
	_ =	sdelay $0x4  }
0x68: {  	[tilespmem:v0+s2+$0x0] =	vst.idx.add.f32.msk $0xffff, v1  }
0x69: {  	v0 =	vld [tilespmem:s29+$0xFFFFFFF0];
	_ =	sdelay $0x2  }
0x6a: {  	v1 =	vld [tilespmem:s30+$0xFFFFFFF0];
	_ =	sdelay $0x4  }
0x6b: {  	[tilespmem:v0+s2+$0x0] =	vst.idx.add.f32.msk $0xffff, v1  }
0x6c: {  	v0 =	vld [tilespmem:s29+$0x0];
	_ =	sdelay $0x1  }
0x6d: {  	s28 =	sadd.s32 $0x8, s28  }
0x6e: {  	p0 =	slt.u32 s28, $0xF8;
	v1 =	vld [tilespmem:s30+$0x0]  }
.Ltmp4:
0x6f: {  	_ = 	snop;
	(pc) =	sbr.rel @p0 .LBB2_10-.Ltmp4, $2  }
0x70: {  	_ =	sdelay $0x2  }
0x71: {  	s29 =	sadd.s32 $0x80, s29;
	s30 =	sadd.s32 $0x100, s30;
	[tilespmem:v0+s2+$0x0] =	vst.idx.add.f32.msk $0xffff, v1  }
0x72: {  	s28 =	simm.s32 $0x1C780  }
0x73: {  	s29 =	simm.s32 $0x80;
	s31 =	sadd.s32 $0x0, s8;
	s30 =	simm.s32 $0x1C880  }
.LBB2_12:
0x74: {  	[tilespmem:s28], [sflag:$0x5] =	stream.linear.gather [hbm4b:s31+s2], $0x80, $0x38;
	[tilespmem:$0x1E700] =	vst v63  }
0x75: {  	s31 =	smov.u32 s29;
	s28 =	smov.u32 s30;
	p0 =	sne.s32 s29, $0xF80  }
.Ltmp5:
0x76: {  	s29 =	sadd.s32 $0x80, s29;
	(pc) =	sbr.rel @p0 .LBB2_12-.Ltmp5, $2  }
0x77: {  	_ =	sdelay $0x2  }
0x78: {  	s30 =	sadd.s32 $0x100, s30;
	s31 =	sadd.s32 s31, s8  }
0x79: {  	[tilespmem:s28], [sflag:$0x5] =	stream.linear.gather [hbm4b:s31+s2], $0x80, $0x38;
	[tilespmem:$0x1E700] =	vst v63  }
0x7a: {  	_ =	swait.ge [sflag:s23], $0x1000  }
0x7b: {  	s28 =	simm.s32 $0xFFFFFFF8;
	[sflag:s23] =	ssyncset.done $0x0  }
0x7c: {  	s29 =	simm.s32 $0x1A770;
	s30 =	simm.s32 $0x1C740;
	[sflag:s23] =	ssyncadd.s32 $0xFFFFF000  }
.LBB2_14:
0x7d: {  	v0 =	vld [tilespmem:s29+$0xFFFFFF90];
	_ =	sdelay $0x2  }
0x7e: {  	v1 =	vld [tilespmem:s30+$0xFFFFFFC0];
	_ =	sdelay $0x4  }
0x7f: {  	[tilespmem:v0+s2+$0x0] =	vst.idx.add.f32.msk $0xffff, v1  }
0x80: {  	v0 =	vld [tilespmem:s29+$0xFFFFFFA0];
	_ =	sdelay $0x2  }
0x81: {  	v1 =	vld [tilespmem:s30+$0xFFFFFFD0];
	_ =	sdelay $0x4  }
0x82: {  	[tilespmem:v0+s2+$0x0] =	vst.idx.add.f32.msk $0xffff, v1  }
0x83: {  	v0 =	vld [tilespmem:s29+$0xFFFFFFB0];
	_ =	sdelay $0x2  }
0x84: {  	v1 =	vld [tilespmem:s30+$0xFFFFFFE0];
	_ =	sdelay $0x4  }
0x85: {  	[tilespmem:v0+s2+$0x0] =	vst.idx.add.f32.msk $0xffff, v1  }
0x86: {  	v0 =	vld [tilespmem:s29+$0xFFFFFFC0];
	_ =	sdelay $0x2  }
0x87: {  	v1 =	vld [tilespmem:s30+$0xFFFFFFF0];
	_ =	sdelay $0x4  }
0x88: {  	[tilespmem:v0+s2+$0x0] =	vst.idx.add.f32.msk $0xffff, v1  }
0x89: {  	v0 =	vld [tilespmem:s29+$0xFFFFFFD0];
	_ =	sdelay $0x2  }
0x8a: {  	v1 =	vld [tilespmem:s30+$0x0];
	_ =	sdelay $0x4  }
0x8b: {  	[tilespmem:v0+s2+$0x0] =	vst.idx.add.f32.msk $0xffff, v1  }
0x8c: {  	v0 =	vld [tilespmem:s29+$0xFFFFFFE0];
	_ =	sdelay $0x2  }
0x8d: {  	v1 =	vld [tilespmem:s30+$0x10];
	_ =	sdelay $0x4  }
0x8e: {  	[tilespmem:v0+s2+$0x0] =	vst.idx.add.f32.msk $0xffff, v1  }
0x8f: {  	v0 =	vld [tilespmem:s29+$0xFFFFFFF0];
	_ =	sdelay $0x2  }
0x90: {  	v1 =	vld [tilespmem:s30+$0x20];
	_ =	sdelay $0x4  }
0x91: {  	[tilespmem:v0+s2+$0x0] =	vst.idx.add.f32.msk $0xffff, v1  }
0x92: {  	v0 =	vld [tilespmem:s29+$0x0];
	_ =	sdelay $0x1  }
0x93: {  	s28 =	sadd.s32 $0x8, s28  }
0x94: {  	p0 =	slt.u32 s28, $0xF8;
	v1 =	vld [tilespmem:s30+$0x30]  }
.Ltmp6:
0x95: {  	_ = 	snop;
	(pc) =	sbr.rel @p0 .LBB2_14-.Ltmp6, $2  }
0x96: {  	_ =	sdelay $0x2  }
0x97: {  	s29 =	sadd.s32 $0x80, s29;
	s30 =	sadd.s32 $0x100, s30;
	[tilespmem:v0+s2+$0x0] =	vst.idx.add.f32.msk $0xffff, v1  }
0x98: {  	s28 =	simm.s32 $0x1C700  }
0x99: {  	s29 =	simm.s32 $0x80;
	s31 =	sadd.s32 $0x0, s9;
	s30 =	simm.s32 $0x1C800  }
.LBB2_16:
0x9a: {  	[tilespmem:s28], [sflag:$0x4] =	stream.linear.gather [hbm4b:s31+s2], $0x80, $0x38;
	[tilespmem:$0x1E700] =	vst v63  }
0x9b: {  	s31 =	smov.u32 s29;
	s28 =	smov.u32 s30;
	p0 =	sne.s32 s29, $0xF80  }
.Ltmp7:
0x9c: {  	s29 =	sadd.s32 $0x80, s29;
	(pc) =	sbr.rel @p0 .LBB2_16-.Ltmp7, $2  }
0x9d: {  	_ =	sdelay $0x2  }
0x9e: {  	s30 =	sadd.s32 $0x100, s30;
	s31 =	sadd.s32 s31, s9  }
0x9f: {  	[tilespmem:s28], [sflag:$0x4] =	stream.linear.gather [hbm4b:s31+s2], $0x80, $0x38;
	[tilespmem:$0x1E700] =	vst v63  }
0xa0: {  	_ =	swait.ge [sflag:s24], $0x1000  }
0xa1: {  	s28 =	simm.s32 $0xFFFFFFF8;
	[sflag:s24] =	ssyncset.done $0x0  }
0xa2: {  	s29 =	simm.s32 $0x1B770;
	s30 =	simm.s32 $0x1C7F0;
	[sflag:s24] =	ssyncadd.s32 $0xFFFFF000  }
.LBB2_18:
0xa3: {  	v0 =	vld [tilespmem:s29+$0xFFFFFF90];
	_ =	sdelay $0x2  }
0xa4: {  	v1 =	vld [tilespmem:s30+$0xFFFFFF90];
	_ =	sdelay $0x4  }
0xa5: {  	[tilespmem:v0+s2+$0x0] =	vst.idx.add.f32.msk $0xffff, v1  }
0xa6: {  	v0 =	vld [tilespmem:s29+$0xFFFFFFA0];
	_ =	sdelay $0x2  }
0xa7: {  	v1 =	vld [tilespmem:s30+$0xFFFFFFA0];
	_ =	sdelay $0x4  }
0xa8: {  	[tilespmem:v0+s2+$0x0] =	vst.idx.add.f32.msk $0xffff, v1  }
0xa9: {  	v0 =	vld [tilespmem:s29+$0xFFFFFFB0];
	_ =	sdelay $0x2  }
0xaa: {  	v1 =	vld [tilespmem:s30+$0xFFFFFFB0];
	_ =	sdelay $0x4  }
0xab: {  	[tilespmem:v0+s2+$0x0] =	vst.idx.add.f32.msk $0xffff, v1  }
0xac: {  	v0 =	vld [tilespmem:s29+$0xFFFFFFC0];
	_ =	sdelay $0x2  }
0xad: {  	v1 =	vld [tilespmem:s30+$0xFFFFFFC0];
	_ =	sdelay $0x4  }
0xae: {  	[tilespmem:v0+s2+$0x0] =	vst.idx.add.f32.msk $0xffff, v1  }
0xaf: {  	v0 =	vld [tilespmem:s29+$0xFFFFFFD0];
	_ =	sdelay $0x2  }
0xb0: {  	v1 =	vld [tilespmem:s30+$0xFFFFFFD0];
	_ =	sdelay $0x4  }
0xb1: {  	[tilespmem:v0+s2+$0x0] =	vst.idx.add.f32.msk $0xffff, v1  }
0xb2: {  	v0 =	vld [tilespmem:s29+$0xFFFFFFE0];
	_ =	sdelay $0x2  }
0xb3: {  	v1 =	vld [tilespmem:s30+$0xFFFFFFE0];
	_ =	sdelay $0x4  }
0xb4: {  	[tilespmem:v0+s2+$0x0] =	vst.idx.add.f32.msk $0xffff, v1  }
0xb5: {  	v0 =	vld [tilespmem:s29+$0xFFFFFFF0];
	_ =	sdelay $0x2  }
0xb6: {  	v1 =	vld [tilespmem:s30+$0xFFFFFFF0];
	_ =	sdelay $0x4  }
0xb7: {  	[tilespmem:v0+s2+$0x0] =	vst.idx.add.f32.msk $0xffff, v1  }
0xb8: {  	v0 =	vld [tilespmem:s29+$0x0];
	_ =	sdelay $0x1  }
0xb9: {  	s28 =	sadd.s32 $0x8, s28  }
0xba: {  	p0 =	slt.u32 s28, $0xF8;
	v1 =	vld [tilespmem:s30+$0x0]  }
.Ltmp8:
0xbb: {  	_ = 	snop;
	(pc) =	sbr.rel @p0 .LBB2_18-.Ltmp8, $2  }
0xbc: {  	_ =	sdelay $0x2  }
0xbd: {  	s29 =	sadd.s32 $0x80, s29;
	s30 =	sadd.s32 $0x100, s30;
	[tilespmem:v0+s2+$0x0] =	vst.idx.add.f32.msk $0xffff, v1  }
0xbe: {  	s28 =	simm.s32 $0x0  }
0xbf: {  	[hbm4b:s10+s18] =	stream.strided.scatter [tilespmem:s28], [sflag:$0x2], $0x18700, s19, s18, $0x38;
	[tilespmem:$0x1E700] =	vst v63  }
0xc0: {  	_ = 	snop  }
0xc1: {  	[tilespmem:s20], [sflag:$0x3] =	stream.strided.gather [hbm4b:s11+s18], $0x4000, s19, s18, $0x38;
	[tilespmem:$0x1E700] =	vst v63  }
0xc2: {  	_ =	swait.ge [sflag:s25], $0x18700  }
0xc3: {  	[sflag:s25] =	ssyncset.done $0x0  }
0xc4: {  	[sflag:s25] =	ssyncadd.s32 $0xFFFE7900  }
0xc5: {  	[tilespmem:s28], [sflag:$0x1] =	stream.strided.gather [hbm4b:s12+s18], $0x18700, s19, s18, $0x38;
	[tilespmem:$0x1E700] =	vst v63  }
0xc6: {  	_ =	swait.ge [sflag:s21], $0x18700  }
0xc7: {  	[sflag:s21] =	ssyncset.done $0x0  }
0xc8: {  	[sflag:s21] =	ssyncadd.s32 $0xFFFE7900  }
0xc9: {  	_ =	swait.ge [sflag:s22], $0x4000  }
0xca: {  	s29 =	simm.s32 $0x80;
	s31 =	sadd.s32 $0x0, s13;
	[sflag:s22] =	ssyncset.done $0x0  }
0xcb: {  	s30 =	simm.s32 $0x1C880;
	s28 =	simm.s32 $0x1C780;
	[sflag:s22] =	ssyncadd.s32 $0xFFFFC000  }
.LBB2_20:
0xcc: {  	[tilespmem:s28], [sflag:$0x5] =	stream.linear.gather [hbm4b:s31+s2], $0x80, $0x38;
	[tilespmem:$0x1E700] =	vst v63  }
0xcd: {  	s31 =	smov.u32 s29;
	s28 =	smov.u32 s30;
	p0 =	sne.s32 s29, $0xF80  }
.Ltmp9:
0xce: {  	s29 =	sadd.s32 $0x80, s29;
	(pc) =	sbr.rel @p0 .LBB2_20-.Ltmp9, $2  }
0xcf: {  	_ =	sdelay $0x2  }
0xd0: {  	s30 =	sadd.s32 $0x100, s30;
	s31 =	sadd.s32 s31, s13  }
0xd1: {  	[tilespmem:s28], [sflag:$0x5] =	stream.linear.gather [hbm4b:s31+s2], $0x80, $0x38;
	[tilespmem:$0x1E700] =	vst v63  }
0xd2: {  	_ =	swait.ge [sflag:s23], $0x1000  }
0xd3: {  	s28 =	simm.s32 $0xFFFFFFF8;
	[sflag:s23] =	ssyncset.done $0x0  }
0xd4: {  	s29 =	simm.s32 $0x18740;
	s30 =	simm.s32 $0x1C740;
	[sflag:s23] =	ssyncadd.s32 $0xFFFFF000  }
.LBB2_22:
0xd5: {  	v0 =	vld [tilespmem:s29+$0xFFFFFFC0];
	_ =	sdelay $0x2  }
0xd6: {  	v1 =	vld [tilespmem:s30+$0xFFFFFFC0];
	_ =	sdelay $0x4  }
0xd7: {  	[tilespmem:v0+s2+$0x0] =	vst.idx.add.f32.msk $0xffff, v1  }
0xd8: {  	v0 =	vld [tilespmem:s29+$0xFFFFFFD0];
	_ =	sdelay $0x2  }
0xd9: {  	v1 =	vld [tilespmem:s30+$0xFFFFFFD0];
	_ =	sdelay $0x4  }
0xda: {  	[tilespmem:v0+s2+$0x0] =	vst.idx.add.f32.msk $0xffff, v1  }
0xdb: {  	v0 =	vld [tilespmem:s29+$0xFFFFFFE0];
	_ =	sdelay $0x2  }
0xdc: {  	v1 =	vld [tilespmem:s30+$0xFFFFFFE0];
	_ =	sdelay $0x4  }
0xdd: {  	[tilespmem:v0+s2+$0x0] =	vst.idx.add.f32.msk $0xffff, v1  }
0xde: {  	v0 =	vld [tilespmem:s29+$0xFFFFFFF0];
	_ =	sdelay $0x2  }
0xdf: {  	v1 =	vld [tilespmem:s30+$0xFFFFFFF0];
	_ =	sdelay $0x4  }
0xe0: {  	[tilespmem:v0+s2+$0x0] =	vst.idx.add.f32.msk $0xffff, v1  }
0xe1: {  	v0 =	vld [tilespmem:s29+$0x0];
	_ =	sdelay $0x2  }
0xe2: {  	v1 =	vld [tilespmem:s30+$0x0];
	_ =	sdelay $0x4  }
0xe3: {  	[tilespmem:v0+s2+$0x0] =	vst.idx.add.f32.msk $0xffff, v1  }
0xe4: {  	v0 =	vld [tilespmem:s29+$0x10];
	_ =	sdelay $0x2  }
0xe5: {  	v1 =	vld [tilespmem:s30+$0x10];
	_ =	sdelay $0x4  }
0xe6: {  	[tilespmem:v0+s2+$0x0] =	vst.idx.add.f32.msk $0xffff, v1  }
0xe7: {  	v0 =	vld [tilespmem:s29+$0x20];
	_ =	sdelay $0x2  }
0xe8: {  	v1 =	vld [tilespmem:s30+$0x20];
	_ =	sdelay $0x4  }
0xe9: {  	[tilespmem:v0+s2+$0x0] =	vst.idx.add.f32.msk $0xffff, v1  }
0xea: {  	v0 =	vld [tilespmem:s29+$0x30];
	_ =	sdelay $0x1  }
0xeb: {  	s28 =	sadd.s32 $0x8, s28  }
0xec: {  	p0 =	slt.u32 s28, $0xF8;
	v1 =	vld [tilespmem:s30+$0x30]  }
.Ltmp10:
0xed: {  	_ = 	snop;
	(pc) =	sbr.rel @p0 .LBB2_22-.Ltmp10, $2  }
0xee: {  	_ =	sdelay $0x2  }
0xef: {  	s29 =	sadd.s32 $0x80, s29;
	s30 =	sadd.s32 $0x100, s30;
	[tilespmem:v0+s2+$0x0] =	vst.idx.add.f32.msk $0xffff, v1  }
0xf0: {  	s28 =	simm.s32 $0x1C700  }
0xf1: {  	s29 =	simm.s32 $0x80;
	s31 =	sadd.s32 $0x0, s14;
	s30 =	simm.s32 $0x1C800  }
.LBB2_24:
0xf2: {  	[tilespmem:s28], [sflag:$0x4] =	stream.linear.gather [hbm4b:s31+s2], $0x80, $0x38;
	[tilespmem:$0x1E700] =	vst v63  }
0xf3: {  	s31 =	smov.u32 s29;
	s28 =	smov.u32 s30;
	p0 =	sne.s32 s29, $0xF80  }
.Ltmp11:
0xf4: {  	s29 =	sadd.s32 $0x80, s29;
	(pc) =	sbr.rel @p0 .LBB2_24-.Ltmp11, $2  }
0xf5: {  	_ =	sdelay $0x2  }
0xf6: {  	s30 =	sadd.s32 $0x100, s30;
	s31 =	sadd.s32 s31, s14  }
0xf7: {  	[tilespmem:s28], [sflag:$0x4] =	stream.linear.gather [hbm4b:s31+s2], $0x80, $0x38;
	[tilespmem:$0x1E700] =	vst v63  }
0xf8: {  	_ =	swait.ge [sflag:s24], $0x1000  }
0xf9: {  	s28 =	simm.s32 $0xFFFFFFF8;
	[sflag:s24] =	ssyncset.done $0x0  }
0xfa: {  	s29 =	simm.s32 $0x19770;
	s30 =	simm.s32 $0x1C7F0;
	[sflag:s24] =	ssyncadd.s32 $0xFFFFF000  }
.LBB2_26:
0xfb: {  	v0 =	vld [tilespmem:s29+$0xFFFFFF90];
	_ =	sdelay $0x2  }
0xfc: {  	v1 =	vld [tilespmem:s30+$0xFFFFFF90];
	_ =	sdelay $0x4  }
0xfd: {  	[tilespmem:v0+s2+$0x0] =	vst.idx.add.f32.msk $0xffff, v1  }
0xfe: {  	v0 =	vld [tilespmem:s29+$0xFFFFFFA0];
	_ =	sdelay $0x2  }
0xff: {  	v1 =	vld [tilespmem:s30+$0xFFFFFFA0];
	_ =	sdelay $0x4  }
0x100: {  	[tilespmem:v0+s2+$0x0] =	vst.idx.add.f32.msk $0xffff, v1  }
0x101: {  	v0 =	vld [tilespmem:s29+$0xFFFFFFB0];
	_ =	sdelay $0x2  }
0x102: {  	v1 =	vld [tilespmem:s30+$0xFFFFFFB0];
	_ =	sdelay $0x4  }
0x103: {  	[tilespmem:v0+s2+$0x0] =	vst.idx.add.f32.msk $0xffff, v1  }
0x104: {  	v0 =	vld [tilespmem:s29+$0xFFFFFFC0];
	_ =	sdelay $0x2  }
0x105: {  	v1 =	vld [tilespmem:s30+$0xFFFFFFC0];
	_ =	sdelay $0x4  }
0x106: {  	[tilespmem:v0+s2+$0x0] =	vst.idx.add.f32.msk $0xffff, v1  }
0x107: {  	v0 =	vld [tilespmem:s29+$0xFFFFFFD0];
	_ =	sdelay $0x2  }
0x108: {  	v1 =	vld [tilespmem:s30+$0xFFFFFFD0];
	_ =	sdelay $0x4  }
0x109: {  	[tilespmem:v0+s2+$0x0] =	vst.idx.add.f32.msk $0xffff, v1  }
0x10a: {  	v0 =	vld [tilespmem:s29+$0xFFFFFFE0];
	_ =	sdelay $0x2  }
0x10b: {  	v1 =	vld [tilespmem:s30+$0xFFFFFFE0];
	_ =	sdelay $0x4  }
0x10c: {  	[tilespmem:v0+s2+$0x0] =	vst.idx.add.f32.msk $0xffff, v1  }
0x10d: {  	v0 =	vld [tilespmem:s29+$0xFFFFFFF0];
	_ =	sdelay $0x2  }
0x10e: {  	v1 =	vld [tilespmem:s30+$0xFFFFFFF0];
	_ =	sdelay $0x4  }
0x10f: {  	[tilespmem:v0+s2+$0x0] =	vst.idx.add.f32.msk $0xffff, v1  }
0x110: {  	v0 =	vld [tilespmem:s29+$0x0];
	_ =	sdelay $0x1  }
0x111: {  	s28 =	sadd.s32 $0x8, s28  }
0x112: {  	p0 =	slt.u32 s28, $0xF8;
	v1 =	vld [tilespmem:s30+$0x0]  }
.Ltmp12:
0x113: {  	_ = 	snop;
	(pc) =	sbr.rel @p0 .LBB2_26-.Ltmp12, $2  }
0x114: {  	_ =	sdelay $0x2  }
0x115: {  	s29 =	sadd.s32 $0x80, s29;
	s30 =	sadd.s32 $0x100, s30;
	[tilespmem:v0+s2+$0x0] =	vst.idx.add.f32.msk $0xffff, v1  }
0x116: {  	s28 =	simm.s32 $0x1C780  }
0x117: {  	s29 =	simm.s32 $0x80;
	s31 =	sadd.s32 $0x0, s15;
	s30 =	simm.s32 $0x1C880  }
.LBB2_28:
0x118: {  	[tilespmem:s28], [sflag:$0x5] =	stream.linear.gather [hbm4b:s31+s2], $0x80, $0x38;
	[tilespmem:$0x1E700] =	vst v63  }
0x119: {  	s31 =	smov.u32 s29;
	s28 =	smov.u32 s30;
	p0 =	sne.s32 s29, $0xF80  }
.Ltmp13:
0x11a: {  	s29 =	sadd.s32 $0x80, s29;
	(pc) =	sbr.rel @p0 .LBB2_28-.Ltmp13, $2  }
0x11b: {  	_ =	sdelay $0x2  }
0x11c: {  	s30 =	sadd.s32 $0x100, s30;
	s31 =	sadd.s32 s31, s15  }
0x11d: {  	[tilespmem:s28], [sflag:$0x5] =	stream.linear.gather [hbm4b:s31+s2], $0x80, $0x38;
	[tilespmem:$0x1E700] =	vst v63  }
0x11e: {  	_ =	swait.ge [sflag:s23], $0x1000  }
0x11f: {  	s28 =	simm.s32 $0xFFFFFFF8;
	[sflag:s23] =	ssyncset.done $0x0  }
0x120: {  	s29 =	simm.s32 $0x1A770;
	s30 =	simm.s32 $0x1C740;
	[sflag:s23] =	ssyncadd.s32 $0xFFFFF000  }
.LBB2_30:
0x121: {  	v0 =	vld [tilespmem:s29+$0xFFFFFF90];
	_ =	sdelay $0x2  }
0x122: {  	v1 =	vld [tilespmem:s30+$0xFFFFFFC0];
	_ =	sdelay $0x4  }
0x123: {  	[tilespmem:v0+s2+$0x0] =	vst.idx.add.f32.msk $0xffff, v1  }
0x124: {  	v0 =	vld [tilespmem:s29+$0xFFFFFFA0];
	_ =	sdelay $0x2  }
0x125: {  	v1 =	vld [tilespmem:s30+$0xFFFFFFD0];
	_ =	sdelay $0x4  }
0x126: {  	[tilespmem:v0+s2+$0x0] =	vst.idx.add.f32.msk $0xffff, v1  }
0x127: {  	v0 =	vld [tilespmem:s29+$0xFFFFFFB0];
	_ =	sdelay $0x2  }
0x128: {  	v1 =	vld [tilespmem:s30+$0xFFFFFFE0];
	_ =	sdelay $0x4  }
0x129: {  	[tilespmem:v0+s2+$0x0] =	vst.idx.add.f32.msk $0xffff, v1  }
0x12a: {  	v0 =	vld [tilespmem:s29+$0xFFFFFFC0];
	_ =	sdelay $0x2  }
0x12b: {  	v1 =	vld [tilespmem:s30+$0xFFFFFFF0];
	_ =	sdelay $0x4  }
0x12c: {  	[tilespmem:v0+s2+$0x0] =	vst.idx.add.f32.msk $0xffff, v1  }
0x12d: {  	v0 =	vld [tilespmem:s29+$0xFFFFFFD0];
	_ =	sdelay $0x2  }
0x12e: {  	v1 =	vld [tilespmem:s30+$0x0];
	_ =	sdelay $0x4  }
0x12f: {  	[tilespmem:v0+s2+$0x0] =	vst.idx.add.f32.msk $0xffff, v1  }
0x130: {  	v0 =	vld [tilespmem:s29+$0xFFFFFFE0];
	_ =	sdelay $0x2  }
0x131: {  	v1 =	vld [tilespmem:s30+$0x10];
	_ =	sdelay $0x4  }
0x132: {  	[tilespmem:v0+s2+$0x0] =	vst.idx.add.f32.msk $0xffff, v1  }
0x133: {  	v0 =	vld [tilespmem:s29+$0xFFFFFFF0];
	_ =	sdelay $0x2  }
0x134: {  	v1 =	vld [tilespmem:s30+$0x20];
	_ =	sdelay $0x4  }
0x135: {  	[tilespmem:v0+s2+$0x0] =	vst.idx.add.f32.msk $0xffff, v1  }
0x136: {  	v0 =	vld [tilespmem:s29+$0x0];
	_ =	sdelay $0x1  }
0x137: {  	s28 =	sadd.s32 $0x8, s28  }
0x138: {  	p0 =	slt.u32 s28, $0xF8;
	v1 =	vld [tilespmem:s30+$0x30]  }
.Ltmp14:
0x139: {  	_ = 	snop;
	(pc) =	sbr.rel @p0 .LBB2_30-.Ltmp14, $2  }
0x13a: {  	_ =	sdelay $0x2  }
0x13b: {  	s29 =	sadd.s32 $0x80, s29;
	s30 =	sadd.s32 $0x100, s30;
	[tilespmem:v0+s2+$0x0] =	vst.idx.add.f32.msk $0xffff, v1  }
0x13c: {  	_ =	swait.ge [sflag:s24], $0x1000  }
0x13d: {  	s28 =	simm.s32 $0xFFFFFFF8;
	[sflag:s24] =	ssyncset.done $0x0  }
0x13e: {  	s29 =	simm.s32 $0x1B770;
	s30 =	simm.s32 $0x1C7F0;
	[sflag:s24] =	ssyncadd.s32 $0xFFFFF000  }
.LBB2_32:
0x13f: {  	v0 =	vld [tilespmem:s29+$0xFFFFFF90];
	_ =	sdelay $0x2  }
0x140: {  	v1 =	vld [tilespmem:s30+$0xFFFFFF90];
	_ =	sdelay $0x4  }
0x141: {  	[tilespmem:v0+s2+$0x0] =	vst.idx.add.f32.msk $0xffff, v1  }
0x142: {  	v0 =	vld [tilespmem:s29+$0xFFFFFFA0];
	_ =	sdelay $0x2  }
0x143: {  	v1 =	vld [tilespmem:s30+$0xFFFFFFA0];
	_ =	sdelay $0x4  }
0x144: {  	[tilespmem:v0+s2+$0x0] =	vst.idx.add.f32.msk $0xffff, v1  }
0x145: {  	v0 =	vld [tilespmem:s29+$0xFFFFFFB0];
	_ =	sdelay $0x2  }
0x146: {  	v1 =	vld [tilespmem:s30+$0xFFFFFFB0];
	_ =	sdelay $0x4  }
0x147: {  	[tilespmem:v0+s2+$0x0] =	vst.idx.add.f32.msk $0xffff, v1  }
0x148: {  	v0 =	vld [tilespmem:s29+$0xFFFFFFC0];
	_ =	sdelay $0x2  }
0x149: {  	v1 =	vld [tilespmem:s30+$0xFFFFFFC0];
	_ =	sdelay $0x4  }
0x14a: {  	[tilespmem:v0+s2+$0x0] =	vst.idx.add.f32.msk $0xffff, v1  }
0x14b: {  	v0 =	vld [tilespmem:s29+$0xFFFFFFD0];
	_ =	sdelay $0x2  }
0x14c: {  	v1 =	vld [tilespmem:s30+$0xFFFFFFD0];
	_ =	sdelay $0x4  }
0x14d: {  	[tilespmem:v0+s2+$0x0] =	vst.idx.add.f32.msk $0xffff, v1  }
0x14e: {  	v0 =	vld [tilespmem:s29+$0xFFFFFFE0];
	_ =	sdelay $0x2  }
0x14f: {  	v1 =	vld [tilespmem:s30+$0xFFFFFFE0];
	_ =	sdelay $0x4  }
0x150: {  	[tilespmem:v0+s2+$0x0] =	vst.idx.add.f32.msk $0xffff, v1  }
0x151: {  	v0 =	vld [tilespmem:s29+$0xFFFFFFF0];
	_ =	sdelay $0x2  }
0x152: {  	v1 =	vld [tilespmem:s30+$0xFFFFFFF0];
	_ =	sdelay $0x4  }
0x153: {  	[tilespmem:v0+s2+$0x0] =	vst.idx.add.f32.msk $0xffff, v1  }
0x154: {  	v0 =	vld [tilespmem:s29+$0x0];
	_ =	sdelay $0x1  }
0x155: {  	s28 =	sadd.s32 $0x8, s28  }
0x156: {  	p0 =	slt.u32 s28, $0xF8;
	v1 =	vld [tilespmem:s30+$0x0]  }
.Ltmp15:
0x157: {  	_ = 	snop;
	(pc) =	sbr.rel @p0 .LBB2_32-.Ltmp15, $2  }
0x158: {  	_ =	sdelay $0x2  }
0x159: {  	s29 =	sadd.s32 $0x80, s29;
	s30 =	sadd.s32 $0x100, s30;
	[tilespmem:v0+s2+$0x0] =	vst.idx.add.f32.msk $0xffff, v1  }
0x15a: {  	s26 =	sadd.s32 $0x1, s26  }
0x15b: {  	p0 =	sne.s32 s26, s17  }
.Ltmp16:
0x15c: {  	_ = 	snop;
	(pc) =	sbr.rel @p0 .LBB2_1-.Ltmp16, $4  }
0x15d: {  	[hbm4b:s16+s18] =	stream.strided.scatter [tilespmem:s2], [sflag:$0x2], $0x18700, s19, s18, $0x38;
	[tilespmem:$0x1E700] =	vst v63  }
0x15e: {  	_ =	swait.ge [sflag:s25], $0x18700  }
0x15f: {  	[sflag:s25] =	ssyncset.done $0x0  }
0x160: {  	[sflag:s25] =	ssyncadd.s32 $0xFFFE7900  }
0x161: {  	_ =	sfence.sel $0x180000  }
0x162: {  	[bflag:$0x0] =	sbarrier.arrive $0xFFFF  }
0x163: {  	p0 =	sne.s32 s1, $0x0;
	_ =	strace $0x90000047  }
0x164: {  	s0 =	sadd.s32 @!p0 $0x100000, s0;
	[bflag:$0x2] =	sbarrier.arrive $0xFFFF  }
0x165: {  	[sflag:s0] =	ssyncadd.tile.s32 @!p0 $0x1;
	_ =	shalt  }
.Lfunc_end2:
_tile_overlayer_lowered:
.L_overlay_start_2:
0x166: {  	(tag) =	ssettag $0x2  }
0x167: {  	s0 =	rddreg [dreg:$0x0];
	s2 =	stileid.u32  }
0x168: {  	s1 =	rddreg [dreg:$0x1];
	p0 =	sne.s32 s2, $0x0  }
0x169: {  	s3 =	rddreg [dreg:$0x2];
	[bflag:$0x3] =	sbarrier.arrive $0xFFFF;
	s2 =	simm.s32 @!p0 $0x1C06  }
0x16a: {  	[timem:s3], [sflag:s2] =	dma.local @!p0 [hbm:s0], s1  }
0x16b: {  	s0 =	simm.s32 @!p0 $0x6  }
0x16c: {  	_ =	swait.ge @!p0 [sflag:s0], s1  }
0x16d: {  	s1 =	ssub.s32 @!p0 $0x0, s1;
	[sflag:s0] =	ssyncset.done @!p0 $0x0  }
0x16e: {  	[sflag:s0] =	ssyncadd.s32 @!p0 s1  }
0x16f: {  	[bflag:$0x3] =	sbarrier.arrive $0xFFFF  }
0x170: {  	_ =	shalt  }

</sc_bundles>
